<compile_context>
chip_gen: v7x
topology: tpu7x:2x2x1
jax: 0.10.2.dev20260603
libtpu: 0.0.44.dev20260713+nightly
codegen_flags: <defaults>
</compile_context>

<pallas_src>
import functools

import jax
import jax.numpy as jnp
from jax import lax
from jax.experimental import pallas as pl
from jax.experimental.pallas import tpu as pltpu
from jax.experimental.pallas import tpu_sc as plsc

H = 512
SEQ_LEN = 10
B = 16
NSEG = B * SEQ_LEN
T = 16384
TBLK = 4096
NUM_TILES = T // TBLK

SC_NC = 2
SC_NS = 16
SC_NW = SC_NC * SC_NS
ROWS_PER_W = T // SC_NW
CHUNK = 64
NCH = ROWS_PER_W // CHUNK
SEG_PER_W = 8


def _sc_mesh():
    return plsc.VectorSubcoreMesh(core_axis_name="c", subcore_axis_name="s")


def _sc_gather(flat_idx, s_idx, r_idx, ent_embeds, rel_embeds):

    @functools.partial(
        pl.kernel,
        mesh=_sc_mesh(),
        out_type=(
            jax.ShapeDtypeStruct((T, H), jnp.float32),
            jax.ShapeDtypeStruct((NSEG, H), jnp.float32),
            jax.ShapeDtypeStruct((NSEG, H), jnp.float32),
        ),
        scratch_types=[
            pltpu.VMEM((ROWS_PER_W,), jnp.int32),
            pltpu.VMEM((CHUNK, H), jnp.float32),
            pltpu.VMEM((CHUNK, H), jnp.float32),
            pltpu.VMEM((SEG_PER_W,), jnp.int32),
            pltpu.VMEM((SEG_PER_W,), jnp.int32),
            pltpu.VMEM((SEG_PER_W, H), jnp.float32),
            pltpu.VMEM((SEG_PER_W, H), jnp.float32),
            pltpu.SemaphoreType.DMA,
            pltpu.SemaphoreType.DMA,
            pltpu.SemaphoreType.DMA,
            pltpu.SemaphoreType.DMA,
            pltpu.SemaphoreType.DMA,
            pltpu.SemaphoreType.DMA,
        ],
    )
    def gather_k(idx_h, sidx_h, ridx_h, ent_h, rel_h, em_o, ss_o, rr_o,
                 idx_v, rows0_v, rows1_v, idx_s, idx_r, rows_s, rows_r,
                 gsem0, gsem1, ssem0, ssem1, sem_s, sem_r):
        wid = lax.axis_index("s") * SC_NC + lax.axis_index("c")
        is_seg = wid < NSEG // SEG_PER_W
        sb = wid * SEG_PER_W

        @pl.when(is_seg)
        def _seg_start():
            pltpu.sync_copy(sidx_h.at[pl.ds(sb, SEG_PER_W)], idx_s)
            pltpu.sync_copy(ridx_h.at[pl.ds(sb, SEG_PER_W)], idx_r)
            pltpu.async_copy(ent_h.at[idx_s], rows_s, sem_s)
            pltpu.async_copy(rel_h.at[idx_r], rows_r, sem_r)

        base_w = wid * ROWS_PER_W
        pltpu.sync_copy(idx_h.at[pl.ds(base_w, ROWS_PER_W)], idx_v)
        bufs = (rows0_v, rows1_v)
        gsems = (gsem0, gsem1)
        ssems = (ssem0, ssem1)

        def start_gather(c):
            b = c % 2
            return pltpu.async_copy(
                ent_h.at[idx_v.at[pl.ds(c * CHUNK, CHUNK)]], bufs[b],
                gsems[b])

        def start_store(c):
            b = c % 2
            return pltpu.async_copy(
                bufs[b], em_o.at[pl.ds(base_w + c * CHUNK, CHUNK)], ssems[b])

        hg = [None] * NCH
        hs = [None] * NCH
        hg[0] = start_gather(0)
        for c in range(NCH):
            if c + 1 < NCH:
                if c >= 1:
                    hs[c - 1].wait()
                hg[c + 1] = start_gather(c + 1)
            hg[c].wait()
            hs[c] = start_store(c)
        hs[NCH - 2].wait()
        hs[NCH - 1].wait()

        @pl.when(is_seg)
        def _seg_drain():
            pltpu.make_async_copy(ent_h.at[idx_s], rows_s, sem_s).wait()
            pltpu.sync_copy(rows_s, ss_o.at[pl.ds(sb, SEG_PER_W)])
            pltpu.make_async_copy(rel_h.at[idx_r], rows_r, sem_r).wait()
            pltpu.sync_copy(rows_r, rr_o.at[pl.ds(sb, SEG_PER_W)])

    return gather_k(flat_idx, s_idx, r_idx, ent_embeds, rel_embeds)


def _attn_body(em_ref, seg_ref, ss_ref, rr_ref, w_ref, b_ref, v_ref,
               row_o, bias_s, num_s, den_s):
    i = pl.program_id(0)

    @pl.when(i == 0)
    def _init():
        bias_s[...] = (
            jnp.dot(ss_ref[...].astype(jnp.bfloat16),
                    w_ref[H:2 * H, :].astype(jnp.bfloat16),
                    preferred_element_type=jnp.float32)
            + jnp.dot(rr_ref[...].astype(jnp.bfloat16),
                      w_ref[2 * H:3 * H, :].astype(jnp.bfloat16),
                      preferred_element_type=jnp.float32)
            + b_ref[...])
        num_s[...] = jnp.zeros_like(num_s)
        den_s[...] = jnp.zeros_like(den_s)

    em = em_ref[...]
    seg = seg_ref[...]
    onehot_t = (seg[None, :] == lax.broadcasted_iota(
        jnp.int32, (NSEG, TBLK), 0)).astype(jnp.float32)
    ohb = onehot_t.astype(jnp.bfloat16)
    bias_t = lax.dot_general(bias_s[...].astype(jnp.bfloat16), ohb,
                             (((0,), (0,)), ((), ())),
                             preferred_element_type=jnp.float32)
    zt = lax.dot_general(w_ref[0:H, :].astype(jnp.bfloat16),
                         em.astype(jnp.bfloat16),
                         (((0,), (1,)), ((), ())),
                         preferred_element_type=jnp.float32) + bias_t
    zat = jnp.tanh(zt)
    v = v_ref[...]
    s_row = jnp.sum(zat * v, axis=0, keepdims=True)
    m_bound = jnp.sum(jnp.abs(v))
    e_row = jnp.exp(s_row - m_bound)
    ohe = onehot_t * e_row
    num_s[...] += lax.dot_general(ohe, em, (((1,), (0,)), ((), ())),
                                  preferred_element_type=jnp.float32)
    den_s[...] += jnp.sum(ohe, axis=1, keepdims=True)

    @pl.when(i == pl.num_programs(0) - 1)
    def _fin():
        den = den_s[...]
        mask = (den > 0).astype(jnp.float32)
        agg = num_s[...] / jnp.maximum(den, 1e-37)
        row_o[:, 0:H] = agg * mask
        row_o[:, H:2 * H] = ss_ref[...] * mask
        row_o[:, 2 * H:3 * H] = rr_ref[...] * mask


_FULL = lambda i: (0, 0)


def _tc_attn(em, seg_ids, ss, rr, W, b2, v_s):
    return pl.pallas_call(
        _attn_body,
        grid=(NUM_TILES,),
        in_specs=[
            pl.BlockSpec((TBLK, H), lambda i: (i, 0)),
            pl.BlockSpec((TBLK,), lambda i: (i,)),
            pl.BlockSpec((NSEG, H), _FULL),
            pl.BlockSpec((NSEG, H), _FULL),
            pl.BlockSpec((3 * H, H), _FULL),
            pl.BlockSpec((1, H), _FULL),
            pl.BlockSpec((H, 1), _FULL),
        ],
        out_specs=pl.BlockSpec((NSEG, 3 * H), _FULL),
        out_shape=jax.ShapeDtypeStruct((NSEG, 3 * H), jnp.float32),
        scratch_shapes=[
            pltpu.VMEM((NSEG, H), jnp.float32),
            pltpu.VMEM((NSEG, H), jnp.float32),
            pltpu.VMEM((NSEG, 1), jnp.float32),
        ],
    )(em, seg_ids, ss, rr, W, b2, v_s)


def kernel(flat_idx, segment_ids, s_idx, r_idx, ent_embeds, rel_embeds,
           W, b, v_s):
    flat_idx = flat_idx.astype(jnp.int32)
    s_idx = s_idx.astype(jnp.int32)
    r_idx = r_idx.astype(jnp.int32)

    em, ss, rr = _sc_gather(flat_idx, s_idx, r_idx, ent_embeds, rel_embeds)

    seg_ids = segment_ids.astype(jnp.int32)
    b2 = b.reshape(1, H)

    row = _tc_attn(em, seg_ids, ss, rr, W, b2, v_s)
    return row.reshape(B, SEQ_LEN, 3 * H)

# --- scband reference (transcript-rebuilt; emitter-appended) ---
"""Pipeline reference for scband-attn-aggregator-28518582846056 (READ-ONLY COPY).

The authoritative reference and input builder live on the scoring server;
editing this copy changes nothing except your own understanding.
"""

import jax, jax.numpy as jnp
import numpy as np

H = 512
SEQ_LEN = 10
B = 16
N_SEG = B * SEQ_LEN
T = 16384
N_ENT = 100000
N_REL = 500


def setup_inputs(seed: int = 0) -> dict:
    key = jax.random.key(seed)
    ks = jax.random.split(key, 9)
    flat_idx = jax.random.randint(ks[0], (T,), 0, N_ENT)
    segment_ids = jnp.sort(jax.random.randint(ks[1], (T,), 0, N_SEG))
    s_idx = jax.random.randint(ks[2], (N_SEG,), 0, N_ENT)
    r_idx = jax.random.randint(ks[3], (N_SEG,), 0, N_REL)
    ent_embeds = jax.random.normal(ks[4], (N_ENT, H), dtype=jnp.float32)
    rel_embeds = jax.random.normal(ks[5], (N_REL, H), dtype=jnp.float32)
    W = jax.random.normal(ks[6], (3 * H, H), dtype=jnp.float32) / np.sqrt(3 * H)
    b = jnp.zeros((H,), dtype=jnp.float32)
    v_s = jax.random.normal(ks[7], (H, 1), dtype=jnp.float32) / np.sqrt(H)
    return {
        'flat_idx': flat_idx,
        'segment_ids': segment_ids,
        's_idx': s_idx,
        'r_idx': r_idx,
        'ent_embeds': ent_embeds,
        'rel_embeds': rel_embeds,
        'W': W,
        'b': b,
        'v_s': v_s,
    }


def reference(flat_idx, segment_ids, s_idx, r_idx, ent_embeds, rel_embeds, W, b, v_s):
    # Ragged attention aggregation: for each (subject, timestep) segment,
    # attend over its variable-length neighbor history and take the weighted sum.
    em = jnp.take(ent_embeds, flat_idx, axis=0)                 # [T, H] gathered neighbor embeds
    ss_tok = jnp.take(ent_embeds, s_idx, axis=0)[segment_ids]   # [T, H] subject embed broadcast to tokens
    rr_tok = jnp.take(rel_embeds, r_idx, axis=0)[segment_ids]   # [T, H] relation embed broadcast to tokens
    em_s_r = jnp.concatenate([em, ss_tok, rr_tok], axis=1)      # [T, 3H]
    # attn_s Linear(3H -> H) then tanh then project with v_s (scores per token)
    scores = (jnp.tanh(em_s_r @ W + b) @ v_s)[:, 0]             # [T]
    # segment-wise softmax over ragged groups
    m = jax.ops.segment_max(scores, segment_ids, num_segments=N_SEG)
    m_safe = jnp.where(jnp.isfinite(m), m, 0.0)
    e = jnp.exp(scores - m_safe[segment_ids])                   # [T]
    denom = jax.ops.segment_sum(e, segment_ids, num_segments=N_SEG)      # [N_SEG]
    num = jax.ops.segment_sum(e[:, None] * em, segment_ids, num_segments=N_SEG)  # [N_SEG, H]
    agg = num / jnp.maximum(denom, 1e-9)[:, None]               # [N_SEG, H]
    row = jnp.concatenate([agg, jnp.take(ent_embeds, s_idx, axis=0), jnp.take(rel_embeds, r_idx, axis=0)], axis=1)  # [N_SEG, 3H]
    mask = (denom > 0).astype(row.dtype)[:, None]
    row = row * mask                                            # empty segments stay zero (matches zeros init)
    out = row.reshape(B, SEQ_LEN, 3 * H)
    return out

if __name__ == "__main__":
    import jax
    _d = setup_inputs()
    print(jax.jit(kernel)(*tuple(_d.values())))

</pallas_src>

<mosaic_0001>
#map = affine_map<(d0, d1) -> (0)>
#map1 = affine_map<(d0, d1) -> (0, 0)>
module attributes {stable_mosaic.version = 14 : i64} {
  func.func @gather_k(%arg0: i32, %arg1: i32, %arg2: memref<16384xi32, #tpu.memory_space<hbm>>, %arg3: memref<160xi32, #tpu.memory_space<hbm>>, %arg4: memref<160xi32, #tpu.memory_space<hbm>>, %arg5: memref<100000x512xf32, #tpu.memory_space<hbm>>, %arg6: memref<500x512xf32, #tpu.memory_space<hbm>>, %arg7: memref<16384x512xf32, #tpu.memory_space<hbm>>, %arg8: memref<160x512xf32, #tpu.memory_space<hbm>>, %arg9: memref<160x512xf32, #tpu.memory_space<hbm>>, %arg10: memref<512xi32, #tpu.memory_space<vmem>>, %arg11: memref<64x512xf32, #tpu.memory_space<vmem>>, %arg12: memref<64x512xf32, #tpu.memory_space<vmem>>, %arg13: memref<8xi32, #tpu.memory_space<vmem>>, %arg14: memref<8xi32, #tpu.memory_space<vmem>>, %arg15: memref<8x512xf32, #tpu.memory_space<vmem>>, %arg16: memref<8x512xf32, #tpu.memory_space<vmem>>, %arg17: memref<!tpu.dma_semaphore, #tpu.memory_space<semaphore_mem>>, %arg18: memref<!tpu.dma_semaphore, #tpu.memory_space<semaphore_mem>>, %arg19: memref<!tpu.dma_semaphore, #tpu.memory_space<semaphore_mem>>, %arg20: memref<!tpu.dma_semaphore, #tpu.memory_space<semaphore_mem>>, %arg21: memref<!tpu.dma_semaphore, #tpu.memory_space<semaphore_mem>>, %arg22: memref<!tpu.dma_semaphore, #tpu.memory_space<semaphore_mem>>) attributes {dimension_semantics = [#tpu.dimension_semantics<core_parallel>, #tpu.dimension_semantics<subcore_parallel>], iteration_bounds = array<i64: 2, 16>, scalar_prefetch = 0 : i64, scratch_operands = 13 : i64, tpu.core_type = #tpu.core_type<sc_vector_subcore>, window_params = [{transform_indices = #map}, {transform_indices = #map}, {transform_indices = #map}, {transform_indices = #map1}, {transform_indices = #map1}, {transform_indices = #map1}, {transform_indices = #map1}, {transform_indices = #map1}]} {
    %mul3A = arith.constant 2 : i32
    %mul3A_0 = arith.muli %arg1, %mul3A : i32
    %add3A = arith.addi %mul3A_0, %arg0 : i32
    %lt3A = arith.constant 20 : i32
    %lt3A_1 = arith.cmpi slt, %add3A, %lt3A : i32
    %mul3A_2 = arith.constant 8 : i32
    %mul3A_3 = arith.muli %add3A, %mul3A_2 : i32
    %convert_element_type3A = arith.extui %lt3A_1 : i1 to i32
    %cond3A = arith.constant 0 : i32
    %cond3A_4 = arith.cmpi ne, %convert_element_type3A, %cond3A : i32
    scf.if %cond3A_4 {
      "tpu.region"() ({
        %run_scoped3A = tpu.sem_alloc : memref<!tpu.dma_semaphore, #tpu.memory_space<semaphore_mem>>
        %dma_start3A_174 = tpu.memref_slice %arg3[%mul3A_3] : memref<160xi32, #tpu.memory_space<hbm>> -> memref<8xi32, #tpu.memory_space<hbm>>
        %dma_start3A_175 = tpu.memref_slice %arg3[%mul3A_3] : memref<160xi32, #tpu.memory_space<hbm>> -> memref<8xi32, #tpu.memory_space<hbm>>
        tpu.enqueue_dma source(%dma_start3A_175 : memref<8xi32, #tpu.memory_space<hbm>>) target(%arg13 : memref<8xi32, #tpu.memory_space<vmem>>) target_semaphore(%run_scoped3A : memref<!tpu.dma_semaphore, #tpu.memory_space<semaphore_mem>>)
        %dma_wait3A_176 = tpu.memref_slice %arg3[%mul3A_3] : memref<160xi32, #tpu.memory_space<hbm>> -> memref<8xi32, #tpu.memory_space<hbm>>
        %dma_wait3A_177 = tpu.memref_slice %arg3[%mul3A_3] : memref<160xi32, #tpu.memory_space<hbm>> -> memref<8xi32, #tpu.memory_space<hbm>>
        tpu.wait_dma2 semaphore(%run_scoped3A : memref<!tpu.dma_semaphore, #tpu.memory_space<semaphore_mem>>) src(%dma_wait3A_177 : memref<8xi32, #tpu.memory_space<hbm>>) dst(%arg13 : memref<8xi32, #tpu.memory_space<vmem>>)
        tpu.yield
      }) : () -> ()
      "tpu.region"() ({
        %run_scoped3A = tpu.sem_alloc : memref<!tpu.dma_semaphore, #tpu.memory_space<semaphore_mem>>
        %dma_start3A_174 = tpu.memref_slice %arg4[%mul3A_3] : memref<160xi32, #tpu.memory_space<hbm>> -> memref<8xi32, #tpu.memory_space<hbm>>
        %dma_start3A_175 = tpu.memref_slice %arg4[%mul3A_3] : memref<160xi32, #tpu.memory_space<hbm>> -> memref<8xi32, #tpu.memory_space<hbm>>
        tpu.enqueue_dma source(%dma_start3A_175 : memref<8xi32, #tpu.memory_space<hbm>>) target(%arg14 : memref<8xi32, #tpu.memory_space<vmem>>) target_semaphore(%run_scoped3A : memref<!tpu.dma_semaphore, #tpu.memory_space<semaphore_mem>>)
        %dma_wait3A_176 = tpu.memref_slice %arg4[%mul3A_3] : memref<160xi32, #tpu.memory_space<hbm>> -> memref<8xi32, #tpu.memory_space<hbm>>
        %dma_wait3A_177 = tpu.memref_slice %arg4[%mul3A_3] : memref<160xi32, #tpu.memory_space<hbm>> -> memref<8xi32, #tpu.memory_space<hbm>>
        tpu.wait_dma2 semaphore(%run_scoped3A : memref<!tpu.dma_semaphore, #tpu.memory_space<semaphore_mem>>) src(%dma_wait3A_177 : memref<8xi32, #tpu.memory_space<hbm>>) dst(%arg14 : memref<8xi32, #tpu.memory_space<vmem>>)
        tpu.yield
      }) : () -> ()
      %dma_start3A_168 = arith.constant 0 : i32
      %dma_start3A_169 = arith.constant 0 : i32
      %dma_start3A_170 = tpu.memref_slice %arg5[%dma_start3A_168, %dma_start3A_169] : memref<100000x512xf32, #tpu.memory_space<hbm>> -> memref<100000x512xf32, #tpu.memory_space<hbm>>
      tpu.enqueue_indirect_dma source(%dma_start3A_170 : memref<100000x512xf32, #tpu.memory_space<hbm>>) target(%arg15 : memref<8x512xf32, #tpu.memory_space<vmem>>) offsets(%arg13 : memref<8xi32, #tpu.memory_space<vmem>>) semaphore(%arg21 : memref<!tpu.dma_semaphore, #tpu.memory_space<semaphore_mem>>)
      %dma_start3A_171 = arith.constant 0 : i32
      %dma_start3A_172 = arith.constant 0 : i32
      %dma_start3A_173 = tpu.memref_slice %arg6[%dma_start3A_171, %dma_start3A_172] : memref<500x512xf32, #tpu.memory_space<hbm>> -> memref<500x512xf32, #tpu.memory_space<hbm>>
      tpu.enqueue_indirect_dma source(%dma_start3A_173 : memref<500x512xf32, #tpu.memory_space<hbm>>) target(%arg16 : memref<8x512xf32, #tpu.memory_space<vmem>>) offsets(%arg14 : memref<8xi32, #tpu.memory_space<vmem>>) semaphore(%arg22 : memref<!tpu.dma_semaphore, #tpu.memory_space<semaphore_mem>>)
    } else {
    }
    %mul3A_5 = arith.constant 512 : i32
    %mul3A_6 = arith.muli %add3A, %mul3A_5 : i32
    "tpu.region"() ({
      %run_scoped3A = tpu.sem_alloc : memref<!tpu.dma_semaphore, #tpu.memory_space<semaphore_mem>>
      %dma_start3A_168 = tpu.memref_slice %arg2[%mul3A_6] : memref<16384xi32, #tpu.memory_space<hbm>> -> memref<512xi32, #tpu.memory_space<hbm>>
      %dma_start3A_169 = tpu.memref_slice %arg2[%mul3A_6] : memref<16384xi32, #tpu.memory_space<hbm>> -> memref<512xi32, #tpu.memory_space<hbm>>
      tpu.enqueue_dma source(%dma_start3A_169 : memref<512xi32, #tpu.memory_space<hbm>>) target(%arg10 : memref<512xi32, #tpu.memory_space<vmem>>) target_semaphore(%run_scoped3A : memref<!tpu.dma_semaphore, #tpu.memory_space<semaphore_mem>>)
      %dma_wait3A_170 = tpu.memref_slice %arg2[%mul3A_6] : memref<16384xi32, #tpu.memory_space<hbm>> -> memref<512xi32, #tpu.memory_space<hbm>>
      %dma_wait3A_171 = tpu.memref_slice %arg2[%mul3A_6] : memref<16384xi32, #tpu.memory_space<hbm>> -> memref<512xi32, #tpu.memory_space<hbm>>
      tpu.wait_dma2 semaphore(%run_scoped3A : memref<!tpu.dma_semaphore, #tpu.memory_space<semaphore_mem>>) src(%dma_wait3A_171 : memref<512xi32, #tpu.memory_space<hbm>>) dst(%arg10 : memref<512xi32, #tpu.memory_space<vmem>>)
      tpu.yield
    }) : () -> ()
    %dma_start3A = arith.constant 0 : i32
    %dma_start3A_7 = tpu.memref_slice %arg10[%dma_start3A] : memref<512xi32, #tpu.memory_space<vmem>> -> memref<64xi32, #tpu.memory_space<vmem>>
    %dma_start3A_8 = arith.constant 0 : i32
    %dma_start3A_9 = arith.constant 0 : i32
    %dma_start3A_10 = tpu.memref_slice %arg5[%dma_start3A_8, %dma_start3A_9] : memref<100000x512xf32, #tpu.memory_space<hbm>> -> memref<100000x512xf32, #tpu.memory_space<hbm>>
    tpu.enqueue_indirect_dma source(%dma_start3A_10 : memref<100000x512xf32, #tpu.memory_space<hbm>>) target(%arg11 : memref<64x512xf32, #tpu.memory_space<vmem>>) offsets(%dma_start3A_7 : memref<64xi32, #tpu.memory_space<vmem>>) semaphore(%arg17 : memref<!tpu.dma_semaphore, #tpu.memory_space<semaphore_mem>>)
    %dma_start3A_11 = arith.constant 64 : i32
    %dma_start3A_12 = tpu.memref_slice %arg10[%dma_start3A_11] : memref<512xi32, #tpu.memory_space<vmem>> -> memref<64xi32, #tpu.memory_space<vmem>>
    %dma_start3A_13 = arith.constant 0 : i32
    %dma_start3A_14 = arith.constant 0 : i32
    %dma_start3A_15 = tpu.memref_slice %arg5[%dma_start3A_13, %dma_start3A_14] : memref<100000x512xf32, #tpu.memory_space<hbm>> -> memref<100000x512xf32, #tpu.memory_space<hbm>>
    tpu.enqueue_indirect_dma source(%dma_start3A_15 : memref<100000x512xf32, #tpu.memory_space<hbm>>) target(%arg12 : memref<64x512xf32, #tpu.memory_space<vmem>>) offsets(%dma_start3A_12 : memref<64xi32, #tpu.memory_space<vmem>>) semaphore(%arg18 : memref<!tpu.dma_semaphore, #tpu.memory_space<semaphore_mem>>)
    %dma_wait3A = arith.constant 0 : i32
    %dma_wait3A_16 = tpu.memref_slice %arg10[%dma_wait3A] : memref<512xi32, #tpu.memory_space<vmem>> -> memref<64xi32, #tpu.memory_space<vmem>>
    %dma_wait3A_17 = arith.constant 0 : i32
    %dma_wait3A_18 = arith.constant 0 : i32
    %dma_wait3A_19 = tpu.memref_slice %arg5[%dma_wait3A_17, %dma_wait3A_18] : memref<100000x512xf32, #tpu.memory_space<hbm>> -> memref<100000x512xf32, #tpu.memory_space<hbm>>
    tpu.wait_indirect_dma semaphore(%arg17 : memref<!tpu.dma_semaphore, #tpu.memory_space<semaphore_mem>>) src(%dma_wait3A_19 : memref<100000x512xf32, #tpu.memory_space<hbm>>) dst(%arg11 : memref<64x512xf32, #tpu.memory_space<vmem>>)
    %add3A_20 = arith.constant 0 : i32
    %add3A_21 = arith.addi %mul3A_6, %add3A_20 : i32
    %dma_start3A_22 = arith.constant 0 : i32
    %dma_start3A_23 = tpu.memref_slice %arg7[%add3A_21, %dma_start3A_22] : memref<16384x512xf32, #tpu.memory_space<hbm>> -> memref<64x512xf32, #tpu.memory_space<hbm>>
    %dma_start3A_24 = arith.constant 0 : i32
    %dma_start3A_25 = tpu.memref_slice %arg7[%add3A_21, %dma_start3A_24] : memref<16384x512xf32, #tpu.memory_space<hbm>> -> memref<64x512xf32, #tpu.memory_space<hbm>>
    tpu.enqueue_dma source(%arg11 : memref<64x512xf32, #tpu.memory_space<vmem>>) target(%dma_start3A_25 : memref<64x512xf32, #tpu.memory_space<hbm>>) target_semaphore(%arg19 : memref<!tpu.dma_semaphore, #tpu.memory_space<semaphore_mem>>)
    %dma_wait3A_26 = arith.constant 0 : i32
    %dma_wait3A_27 = tpu.memref_slice %arg7[%add3A_21, %dma_wait3A_26] : memref<16384x512xf32, #tpu.memory_space<hbm>> -> memref<64x512xf32, #tpu.memory_space<hbm>>
    %dma_wait3A_28 = arith.constant 0 : i32
    %dma_wait3A_29 = tpu.memref_slice %arg7[%add3A_21, %dma_wait3A_28] : memref<16384x512xf32, #tpu.memory_space<hbm>> -> memref<64x512xf32, #tpu.memory_space<hbm>>
    tpu.wait_dma2 semaphore(%arg19 : memref<!tpu.dma_semaphore, #tpu.memory_space<semaphore_mem>>) src(%arg11 : memref<64x512xf32, #tpu.memory_space<vmem>>) dst(%dma_wait3A_29 : memref<64x512xf32, #tpu.memory_space<hbm>>)
    %dma_start3A_30 = arith.constant 128 : i32
    %dma_start3A_31 = tpu.memref_slice %arg10[%dma_start3A_30] : memref<512xi32, #tpu.memory_space<vmem>> -> memref<64xi32, #tpu.memory_space<vmem>>
    %dma_start3A_32 = arith.constant 0 : i32
    %dma_start3A_33 = arith.constant 0 : i32
    %dma_start3A_34 = tpu.memref_slice %arg5[%dma_start3A_32, %dma_start3A_33] : memref<100000x512xf32, #tpu.memory_space<hbm>> -> memref<100000x512xf32, #tpu.memory_space<hbm>>
    tpu.enqueue_indirect_dma source(%dma_start3A_34 : memref<100000x512xf32, #tpu.memory_space<hbm>>) target(%arg11 : memref<64x512xf32, #tpu.memory_space<vmem>>) offsets(%dma_start3A_31 : memref<64xi32, #tpu.memory_space<vmem>>) semaphore(%arg17 : memref<!tpu.dma_semaphore, #tpu.memory_space<semaphore_mem>>)
    %dma_wait3A_35 = arith.constant 64 : i32
    %dma_wait3A_36 = tpu.memref_slice %arg10[%dma_wait3A_35] : memref<512xi32, #tpu.memory_space<vmem>> -> memref<64xi32, #tpu.memory_space<vmem>>
    %dma_wait3A_37 = arith.constant 0 : i32
    %dma_wait3A_38 = arith.constant 0 : i32
    %dma_wait3A_39 = tpu.memref_slice %arg5[%dma_wait3A_37, %dma_wait3A_38] : memref<100000x512xf32, #tpu.memory_space<hbm>> -> memref<100000x512xf32, #tpu.memory_space<hbm>>
    tpu.wait_indirect_dma semaphore(%arg18 : memref<!tpu.dma_semaphore, #tpu.memory_space<semaphore_mem>>) src(%dma_wait3A_39 : memref<100000x512xf32, #tpu.memory_space<hbm>>) dst(%arg12 : memref<64x512xf32, #tpu.memory_space<vmem>>)
    %add3A_40 = arith.constant 64 : i32
    %add3A_41 = arith.addi %mul3A_6, %add3A_40 : i32
    %dma_start3A_42 = arith.constant 0 : i32
    %dma_start3A_43 = tpu.memref_slice %arg7[%add3A_41, %dma_start3A_42] : memref<16384x512xf32, #tpu.memory_space<hbm>> -> memref<64x512xf32, #tpu.memory_space<hbm>>
    %dma_start3A_44 = arith.constant 0 : i32
    %dma_start3A_45 = tpu.memref_slice %arg7[%add3A_41, %dma_start3A_44] : memref<16384x512xf32, #tpu.memory_space<hbm>> -> memref<64x512xf32, #tpu.memory_space<hbm>>
    tpu.enqueue_dma source(%arg12 : memref<64x512xf32, #tpu.memory_space<vmem>>) target(%dma_start3A_45 : memref<64x512xf32, #tpu.memory_space<hbm>>) target_semaphore(%arg20 : memref<!tpu.dma_semaphore, #tpu.memory_space<semaphore_mem>>)
    %dma_wait3A_46 = arith.constant 0 : i32
    %dma_wait3A_47 = tpu.memref_slice %arg7[%add3A_41, %dma_wait3A_46] : memref<16384x512xf32, #tpu.memory_space<hbm>> -> memref<64x512xf32, #tpu.memory_space<hbm>>
    %dma_wait3A_48 = arith.constant 0 : i32
    %dma_wait3A_49 = tpu.memref_slice %arg7[%add3A_41, %dma_wait3A_48] : memref<16384x512xf32, #tpu.memory_space<hbm>> -> memref<64x512xf32, #tpu.memory_space<hbm>>
    tpu.wait_dma2 semaphore(%arg20 : memref<!tpu.dma_semaphore, #tpu.memory_space<semaphore_mem>>) src(%arg12 : memref<64x512xf32, #tpu.memory_space<vmem>>) dst(%dma_wait3A_49 : memref<64x512xf32, #tpu.memory_space<hbm>>)
    %dma_start3A_50 = arith.constant 192 : i32
    %dma_start3A_51 = tpu.memref_slice %arg10[%dma_start3A_50] : memref<512xi32, #tpu.memory_space<vmem>> -> memref<64xi32, #tpu.memory_space<vmem>>
    %dma_start3A_52 = arith.constant 0 : i32
    %dma_start3A_53 = arith.constant 0 : i32
    %dma_start3A_54 = tpu.memref_slice %arg5[%dma_start3A_52, %dma_start3A_53] : memref<100000x512xf32, #tpu.memory_space<hbm>> -> memref<100000x512xf32, #tpu.memory_space<hbm>>
    tpu.enqueue_indirect_dma source(%dma_start3A_54 : memref<100000x512xf32, #tpu.memory_space<hbm>>) target(%arg12 : memref<64x512xf32, #tpu.memory_space<vmem>>) offsets(%dma_start3A_51 : memref<64xi32, #tpu.memory_space<vmem>>) semaphore(%arg18 : memref<!tpu.dma_semaphore, #tpu.memory_space<semaphore_mem>>)
    %dma_wait3A_55 = arith.constant 128 : i32
    %dma_wait3A_56 = tpu.memref_slice %arg10[%dma_wait3A_55] : memref<512xi32, #tpu.memory_space<vmem>> -> memref<64xi32, #tpu.memory_space<vmem>>
    %dma_wait3A_57 = arith.constant 0 : i32
    %dma_wait3A_58 = arith.constant 0 : i32
    %dma_wait3A_59 = tpu.memref_slice %arg5[%dma_wait3A_57, %dma_wait3A_58] : memref<100000x512xf32, #tpu.memory_space<hbm>> -> memref<100000x512xf32, #tpu.memory_space<hbm>>
    tpu.wait_indirect_dma semaphore(%arg17 : memref<!tpu.dma_semaphore, #tpu.memory_space<semaphore_mem>>) src(%dma_wait3A_59 : memref<100000x512xf32, #tpu.memory_space<hbm>>) dst(%arg11 : memref<64x512xf32, #tpu.memory_space<vmem>>)
    %add3A_60 = arith.constant 128 : i32
    %add3A_61 = arith.addi %mul3A_6, %add3A_60 : i32
    %dma_start3A_62 = arith.constant 0 : i32
    %dma_start3A_63 = tpu.memref_slice %arg7[%add3A_61, %dma_start3A_62] : memref<16384x512xf32, #tpu.memory_space<hbm>> -> memref<64x512xf32, #tpu.memory_space<hbm>>
    %dma_start3A_64 = arith.constant 0 : i32
    %dma_start3A_65 = tpu.memref_slice %arg7[%add3A_61, %dma_start3A_64] : memref<16384x512xf32, #tpu.memory_space<hbm>> -> memref<64x512xf32, #tpu.memory_space<hbm>>
    tpu.enqueue_dma source(%arg11 : memref<64x512xf32, #tpu.memory_space<vmem>>) target(%dma_start3A_65 : memref<64x512xf32, #tpu.memory_space<hbm>>) target_semaphore(%arg19 : memref<!tpu.dma_semaphore, #tpu.memory_space<semaphore_mem>>)
    %dma_wait3A_66 = arith.constant 0 : i32
    %dma_wait3A_67 = tpu.memref_slice %arg7[%add3A_61, %dma_wait3A_66] : memref<16384x512xf32, #tpu.memory_space<hbm>> -> memref<64x512xf32, #tpu.memory_space<hbm>>
    %dma_wait3A_68 = arith.constant 0 : i32
    %dma_wait3A_69 = tpu.memref_slice %arg7[%add3A_61, %dma_wait3A_68] : memref<16384x512xf32, #tpu.memory_space<hbm>> -> memref<64x512xf32, #tpu.memory_space<hbm>>
    tpu.wait_dma2 semaphore(%arg19 : memref<!tpu.dma_semaphore, #tpu.memory_space<semaphore_mem>>) src(%arg11 : memref<64x512xf32, #tpu.memory_space<vmem>>) dst(%dma_wait3A_69 : memref<64x512xf32, #tpu.memory_space<hbm>>)
    %dma_start3A_70 = arith.constant 256 : i32
    %dma_start3A_71 = tpu.memref_slice %arg10[%dma_start3A_70] : memref<512xi32, #tpu.memory_space<vmem>> -> memref<64xi32, #tpu.memory_space<vmem>>
    %dma_start3A_72 = arith.constant 0 : i32
    %dma_start3A_73 = arith.constant 0 : i32
    %dma_start3A_74 = tpu.memref_slice %arg5[%dma_start3A_72, %dma_start3A_73] : memref<100000x512xf32, #tpu.memory_space<hbm>> -> memref<100000x512xf32, #tpu.memory_space<hbm>>
    tpu.enqueue_indirect_dma source(%dma_start3A_74 : memref<100000x512xf32, #tpu.memory_space<hbm>>) target(%arg11 : memref<64x512xf32, #tpu.memory_space<vmem>>) offsets(%dma_start3A_71 : memref<64xi32, #tpu.memory_space<vmem>>) semaphore(%arg17 : memref<!tpu.dma_semaphore, #tpu.memory_space<semaphore_mem>>)
    %dma_wait3A_75 = arith.constant 192 : i32
    %dma_wait3A_76 = tpu.memref_slice %arg10[%dma_wait3A_75] : memref<512xi32, #tpu.memory_space<vmem>> -> memref<64xi32, #tpu.memory_space<vmem>>
    %dma_wait3A_77 = arith.constant 0 : i32
    %dma_wait3A_78 = arith.constant 0 : i32
    %dma_wait3A_79 = tpu.memref_slice %arg5[%dma_wait3A_77, %dma_wait3A_78] : memref<100000x512xf32, #tpu.memory_space<hbm>> -> memref<100000x512xf32, #tpu.memory_space<hbm>>
    tpu.wait_indirect_dma semaphore(%arg18 : memref<!tpu.dma_semaphore, #tpu.memory_space<semaphore_mem>>) src(%dma_wait3A_79 : memref<100000x512xf32, #tpu.memory_space<hbm>>) dst(%arg12 : memref<64x512xf32, #tpu.memory_space<vmem>>)
    %add3A_80 = arith.constant 192 : i32
    %add3A_81 = arith.addi %mul3A_6, %add3A_80 : i32
    %dma_start3A_82 = arith.constant 0 : i32
    %dma_start3A_83 = tpu.memref_slice %arg7[%add3A_81, %dma_start3A_82] : memref<16384x512xf32, #tpu.memory_space<hbm>> -> memref<64x512xf32, #tpu.memory_space<hbm>>
    %dma_start3A_84 = arith.constant 0 : i32
    %dma_start3A_85 = tpu.memref_slice %arg7[%add3A_81, %dma_start3A_84] : memref<16384x512xf32, #tpu.memory_space<hbm>> -> memref<64x512xf32, #tpu.memory_space<hbm>>
    tpu.enqueue_dma source(%arg12 : memref<64x512xf32, #tpu.memory_space<vmem>>) target(%dma_start3A_85 : memref<64x512xf32, #tpu.memory_space<hbm>>) target_semaphore(%arg20 : memref<!tpu.dma_semaphore, #tpu.memory_space<semaphore_mem>>)
    %dma_wait3A_86 = arith.constant 0 : i32
    %dma_wait3A_87 = tpu.memref_slice %arg7[%add3A_81, %dma_wait3A_86] : memref<16384x512xf32, #tpu.memory_space<hbm>> -> memref<64x512xf32, #tpu.memory_space<hbm>>
    %dma_wait3A_88 = arith.constant 0 : i32
    %dma_wait3A_89 = tpu.memref_slice %arg7[%add3A_81, %dma_wait3A_88] : memref<16384x512xf32, #tpu.memory_space<hbm>> -> memref<64x512xf32, #tpu.memory_space<hbm>>
    tpu.wait_dma2 semaphore(%arg20 : memref<!tpu.dma_semaphore, #tpu.memory_space<semaphore_mem>>) src(%arg12 : memref<64x512xf32, #tpu.memory_space<vmem>>) dst(%dma_wait3A_89 : memref<64x512xf32, #tpu.memory_space<hbm>>)
    %dma_start3A_90 = arith.constant 320 : i32
    %dma_start3A_91 = tpu.memref_slice %arg10[%dma_start3A_90] : memref<512xi32, #tpu.memory_space<vmem>> -> memref<64xi32, #tpu.memory_space<vmem>>
    %dma_start3A_92 = arith.constant 0 : i32
    %dma_start3A_93 = arith.constant 0 : i32
    %dma_start3A_94 = tpu.memref_slice %arg5[%dma_start3A_92, %dma_start3A_93] : memref<100000x512xf32, #tpu.memory_space<hbm>> -> memref<100000x512xf32, #tpu.memory_space<hbm>>
    tpu.enqueue_indirect_dma source(%dma_start3A_94 : memref<100000x512xf32, #tpu.memory_space<hbm>>) target(%arg12 : memref<64x512xf32, #tpu.memory_space<vmem>>) offsets(%dma_start3A_91 : memref<64xi32, #tpu.memory_space<vmem>>) semaphore(%arg18 : memref<!tpu.dma_semaphore, #tpu.memory_space<semaphore_mem>>)
    %dma_wait3A_95 = arith.constant 256 : i32
    %dma_wait3A_96 = tpu.memref_slice %arg10[%dma_wait3A_95] : memref<512xi32, #tpu.memory_space<vmem>> -> memref<64xi32, #tpu.memory_space<vmem>>
    %dma_wait3A_97 = arith.constant 0 : i32
    %dma_wait3A_98 = arith.constant 0 : i32
    %dma_wait3A_99 = tpu.memref_slice %arg5[%dma_wait3A_97, %dma_wait3A_98] : memref<100000x512xf32, #tpu.memory_space<hbm>> -> memref<100000x512xf32, #tpu.memory_space<hbm>>
    tpu.wait_indirect_dma semaphore(%arg17 : memref<!tpu.dma_semaphore, #tpu.memory_space<semaphore_mem>>) src(%dma_wait3A_99 : memref<100000x512xf32, #tpu.memory_space<hbm>>) dst(%arg11 : memref<64x512xf32, #tpu.memory_space<vmem>>)
    %add3A_100 = arith.constant 256 : i32
    %add3A_101 = arith.addi %mul3A_6, %add3A_100 : i32
    %dma_start3A_102 = arith.constant 0 : i32
    %dma_start3A_103 = tpu.memref_slice %arg7[%add3A_101, %dma_start3A_102] : memref<16384x512xf32, #tpu.memory_space<hbm>> -> memref<64x512xf32, #tpu.memory_space<hbm>>
    %dma_start3A_104 = arith.constant 0 : i32
    %dma_start3A_105 = tpu.memref_slice %arg7[%add3A_101, %dma_start3A_104] : memref<16384x512xf32, #tpu.memory_space<hbm>> -> memref<64x512xf32, #tpu.memory_space<hbm>>
    tpu.enqueue_dma source(%arg11 : memref<64x512xf32, #tpu.memory_space<vmem>>) target(%dma_start3A_105 : memref<64x512xf32, #tpu.memory_space<hbm>>) target_semaphore(%arg19 : memref<!tpu.dma_semaphore, #tpu.memory_space<semaphore_mem>>)
    %dma_wait3A_106 = arith.constant 0 : i32
    %dma_wait3A_107 = tpu.memref_slice %arg7[%add3A_101, %dma_wait3A_106] : memref<16384x512xf32, #tpu.memory_space<hbm>> -> memref<64x512xf32, #tpu.memory_space<hbm>>
    %dma_wait3A_108 = arith.constant 0 : i32
    %dma_wait3A_109 = tpu.memref_slice %arg7[%add3A_101, %dma_wait3A_108] : memref<16384x512xf32, #tpu.memory_space<hbm>> -> memref<64x512xf32, #tpu.memory_space<hbm>>
    tpu.wait_dma2 semaphore(%arg19 : memref<!tpu.dma_semaphore, #tpu.memory_space<semaphore_mem>>) src(%arg11 : memref<64x512xf32, #tpu.memory_space<vmem>>) dst(%dma_wait3A_109 : memref<64x512xf32, #tpu.memory_space<hbm>>)
    %dma_start3A_110 = arith.constant 384 : i32
    %dma_start3A_111 = tpu.memref_slice %arg10[%dma_start3A_110] : memref<512xi32, #tpu.memory_space<vmem>> -> memref<64xi32, #tpu.memory_space<vmem>>
    %dma_start3A_112 = arith.constant 0 : i32
    %dma_start3A_113 = arith.constant 0 : i32
    %dma_start3A_114 = tpu.memref_slice %arg5[%dma_start3A_112, %dma_start3A_113] : memref<100000x512xf32, #tpu.memory_space<hbm>> -> memref<100000x512xf32, #tpu.memory_space<hbm>>
    tpu.enqueue_indirect_dma source(%dma_start3A_114 : memref<100000x512xf32, #tpu.memory_space<hbm>>) target(%arg11 : memref<64x512xf32, #tpu.memory_space<vmem>>) offsets(%dma_start3A_111 : memref<64xi32, #tpu.memory_space<vmem>>) semaphore(%arg17 : memref<!tpu.dma_semaphore, #tpu.memory_space<semaphore_mem>>)
    %dma_wait3A_115 = arith.constant 320 : i32
    %dma_wait3A_116 = tpu.memref_slice %arg10[%dma_wait3A_115] : memref<512xi32, #tpu.memory_space<vmem>> -> memref<64xi32, #tpu.memory_space<vmem>>
    %dma_wait3A_117 = arith.constant 0 : i32
    %dma_wait3A_118 = arith.constant 0 : i32
    %dma_wait3A_119 = tpu.memref_slice %arg5[%dma_wait3A_117, %dma_wait3A_118] : memref<100000x512xf32, #tpu.memory_space<hbm>> -> memref<100000x512xf32, #tpu.memory_space<hbm>>
    tpu.wait_indirect_dma semaphore(%arg18 : memref<!tpu.dma_semaphore, #tpu.memory_space<semaphore_mem>>) src(%dma_wait3A_119 : memref<100000x512xf32, #tpu.memory_space<hbm>>) dst(%arg12 : memref<64x512xf32, #tpu.memory_space<vmem>>)
    %add3A_120 = arith.constant 320 : i32
    %add3A_121 = arith.addi %mul3A_6, %add3A_120 : i32
    %dma_start3A_122 = arith.constant 0 : i32
    %dma_start3A_123 = tpu.memref_slice %arg7[%add3A_121, %dma_start3A_122] : memref<16384x512xf32, #tpu.memory_space<hbm>> -> memref<64x512xf32, #tpu.memory_space<hbm>>
    %dma_start3A_124 = arith.constant 0 : i32
    %dma_start3A_125 = tpu.memref_slice %arg7[%add3A_121, %dma_start3A_124] : memref<16384x512xf32, #tpu.memory_space<hbm>> -> memref<64x512xf32, #tpu.memory_space<hbm>>
    tpu.enqueue_dma source(%arg12 : memref<64x512xf32, #tpu.memory_space<vmem>>) target(%dma_start3A_125 : memref<64x512xf32, #tpu.memory_space<hbm>>) target_semaphore(%arg20 : memref<!tpu.dma_semaphore, #tpu.memory_space<semaphore_mem>>)
    %dma_wait3A_126 = arith.constant 0 : i32
    %dma_wait3A_127 = tpu.memref_slice %arg7[%add3A_121, %dma_wait3A_126] : memref<16384x512xf32, #tpu.memory_space<hbm>> -> memref<64x512xf32, #tpu.memory_space<hbm>>
    %dma_wait3A_128 = arith.constant 0 : i32
    %dma_wait3A_129 = tpu.memref_slice %arg7[%add3A_121, %dma_wait3A_128] : memref<16384x512xf32, #tpu.memory_space<hbm>> -> memref<64x512xf32, #tpu.memory_space<hbm>>
    tpu.wait_dma2 semaphore(%arg20 : memref<!tpu.dma_semaphore, #tpu.memory_space<semaphore_mem>>) src(%arg12 : memref<64x512xf32, #tpu.memory_space<vmem>>) dst(%dma_wait3A_129 : memref<64x512xf32, #tpu.memory_space<hbm>>)
    %dma_start3A_130 = arith.constant 448 : i32
    %dma_start3A_131 = tpu.memref_slice %arg10[%dma_start3A_130] : memref<512xi32, #tpu.memory_space<vmem>> -> memref<64xi32, #tpu.memory_space<vmem>>
    %dma_start3A_132 = arith.constant 0 : i32
    %dma_start3A_133 = arith.constant 0 : i32
    %dma_start3A_134 = tpu.memref_slice %arg5[%dma_start3A_132, %dma_start3A_133] : memref<100000x512xf32, #tpu.memory_space<hbm>> -> memref<100000x512xf32, #tpu.memory_space<hbm>>
    tpu.enqueue_indirect_dma source(%dma_start3A_134 : memref<100000x512xf32, #tpu.memory_space<hbm>>) target(%arg12 : memref<64x512xf32, #tpu.memory_space<vmem>>) offsets(%dma_start3A_131 : memref<64xi32, #tpu.memory_space<vmem>>) semaphore(%arg18 : memref<!tpu.dma_semaphore, #tpu.memory_space<semaphore_mem>>)
    %dma_wait3A_135 = arith.constant 384 : i32
    %dma_wait3A_136 = tpu.memref_slice %arg10[%dma_wait3A_135] : memref<512xi32, #tpu.memory_space<vmem>> -> memref<64xi32, #tpu.memory_space<vmem>>
    %dma_wait3A_137 = arith.constant 0 : i32
    %dma_wait3A_138 = arith.constant 0 : i32
    %dma_wait3A_139 = tpu.memref_slice %arg5[%dma_wait3A_137, %dma_wait3A_138] : memref<100000x512xf32, #tpu.memory_space<hbm>> -> memref<100000x512xf32, #tpu.memory_space<hbm>>
    tpu.wait_indirect_dma semaphore(%arg17 : memref<!tpu.dma_semaphore, #tpu.memory_space<semaphore_mem>>) src(%dma_wait3A_139 : memref<100000x512xf32, #tpu.memory_space<hbm>>) dst(%arg11 : memref<64x512xf32, #tpu.memory_space<vmem>>)
    %add3A_140 = arith.constant 384 : i32
    %add3A_141 = arith.addi %mul3A_6, %add3A_140 : i32
    %dma_start3A_142 = arith.constant 0 : i32
    %dma_start3A_143 = tpu.memref_slice %arg7[%add3A_141, %dma_start3A_142] : memref<16384x512xf32, #tpu.memory_space<hbm>> -> memref<64x512xf32, #tpu.memory_space<hbm>>
    %dma_start3A_144 = arith.constant 0 : i32
    %dma_start3A_145 = tpu.memref_slice %arg7[%add3A_141, %dma_start3A_144] : memref<16384x512xf32, #tpu.memory_space<hbm>> -> memref<64x512xf32, #tpu.memory_space<hbm>>
    tpu.enqueue_dma source(%arg11 : memref<64x512xf32, #tpu.memory_space<vmem>>) target(%dma_start3A_145 : memref<64x512xf32, #tpu.memory_space<hbm>>) target_semaphore(%arg19 : memref<!tpu.dma_semaphore, #tpu.memory_space<semaphore_mem>>)
    %dma_wait3A_146 = arith.constant 448 : i32
    %dma_wait3A_147 = tpu.memref_slice %arg10[%dma_wait3A_146] : memref<512xi32, #tpu.memory_space<vmem>> -> memref<64xi32, #tpu.memory_space<vmem>>
    %dma_wait3A_148 = arith.constant 0 : i32
    %dma_wait3A_149 = arith.constant 0 : i32
    %dma_wait3A_150 = tpu.memref_slice %arg5[%dma_wait3A_148, %dma_wait3A_149] : memref<100000x512xf32, #tpu.memory_space<hbm>> -> memref<100000x512xf32, #tpu.memory_space<hbm>>
    tpu.wait_indirect_dma semaphore(%arg18 : memref<!tpu.dma_semaphore, #tpu.memory_space<semaphore_mem>>) src(%dma_wait3A_150 : memref<100000x512xf32, #tpu.memory_space<hbm>>) dst(%arg12 : memref<64x512xf32, #tpu.memory_space<vmem>>)
    %add3A_151 = arith.constant 448 : i32
    %add3A_152 = arith.addi %mul3A_6, %add3A_151 : i32
    %dma_start3A_153 = arith.constant 0 : i32
    %dma_start3A_154 = tpu.memref_slice %arg7[%add3A_152, %dma_start3A_153] : memref<16384x512xf32, #tpu.memory_space<hbm>> -> memref<64x512xf32, #tpu.memory_space<hbm>>
    %dma_start3A_155 = arith.constant 0 : i32
    %dma_start3A_156 = tpu.memref_slice %arg7[%add3A_152, %dma_start3A_155] : memref<16384x512xf32, #tpu.memory_space<hbm>> -> memref<64x512xf32, #tpu.memory_space<hbm>>
    tpu.enqueue_dma source(%arg12 : memref<64x512xf32, #tpu.memory_space<vmem>>) target(%dma_start3A_156 : memref<64x512xf32, #tpu.memory_space<hbm>>) target_semaphore(%arg20 : memref<!tpu.dma_semaphore, #tpu.memory_space<semaphore_mem>>)
    %dma_wait3A_157 = arith.constant 0 : i32
    %dma_wait3A_158 = tpu.memref_slice %arg7[%add3A_141, %dma_wait3A_157] : memref<16384x512xf32, #tpu.memory_space<hbm>> -> memref<64x512xf32, #tpu.memory_space<hbm>>
    %dma_wait3A_159 = arith.constant 0 : i32
    %dma_wait3A_160 = tpu.memref_slice %arg7[%add3A_141, %dma_wait3A_159] : memref<16384x512xf32, #tpu.memory_space<hbm>> -> memref<64x512xf32, #tpu.memory_space<hbm>>
    tpu.wait_dma2 semaphore(%arg19 : memref<!tpu.dma_semaphore, #tpu.memory_space<semaphore_mem>>) src(%arg11 : memref<64x512xf32, #tpu.memory_space<vmem>>) dst(%dma_wait3A_160 : memref<64x512xf32, #tpu.memory_space<hbm>>)
    %dma_wait3A_161 = arith.constant 0 : i32
    %dma_wait3A_162 = tpu.memref_slice %arg7[%add3A_152, %dma_wait3A_161] : memref<16384x512xf32, #tpu.memory_space<hbm>> -> memref<64x512xf32, #tpu.memory_space<hbm>>
    %dma_wait3A_163 = arith.constant 0 : i32
    %dma_wait3A_164 = tpu.memref_slice %arg7[%add3A_152, %dma_wait3A_163] : memref<16384x512xf32, #tpu.memory_space<hbm>> -> memref<64x512xf32, #tpu.memory_space<hbm>>
    tpu.wait_dma2 semaphore(%arg20 : memref<!tpu.dma_semaphore, #tpu.memory_space<semaphore_mem>>) src(%arg12 : memref<64x512xf32, #tpu.memory_space<vmem>>) dst(%dma_wait3A_164 : memref<64x512xf32, #tpu.memory_space<hbm>>)
    %convert_element_type3A_165 = arith.extui %lt3A_1 : i1 to i32
    %cond3A_166 = arith.constant 0 : i32
    %cond3A_167 = arith.cmpi ne, %convert_element_type3A_165, %cond3A_166 : i32
    scf.if %cond3A_167 {
      %dma_wait3A_168 = arith.constant 0 : i32
      %dma_wait3A_169 = arith.constant 0 : i32
      %dma_wait3A_170 = tpu.memref_slice %arg5[%dma_wait3A_168, %dma_wait3A_169] : memref<100000x512xf32, #tpu.memory_space<hbm>> -> memref<100000x512xf32, #tpu.memory_space<hbm>>
      tpu.wait_indirect_dma semaphore(%arg21 : memref<!tpu.dma_semaphore, #tpu.memory_space<semaphore_mem>>) src(%dma_wait3A_170 : memref<100000x512xf32, #tpu.memory_space<hbm>>) dst(%arg15 : memref<8x512xf32, #tpu.memory_space<vmem>>)
      "tpu.region"() ({
        %run_scoped3A = tpu.sem_alloc : memref<!tpu.dma_semaphore, #tpu.memory_space<semaphore_mem>>
        %dma_start3A_174 = arith.constant 0 : i32
        %dma_start3A_175 = tpu.memref_slice %arg8[%mul3A_3, %dma_start3A_174] : memref<160x512xf32, #tpu.memory_space<hbm>> -> memref<8x512xf32, #tpu.memory_space<hbm>>
        %dma_start3A_176 = arith.constant 0 : i32
        %dma_start3A_177 = tpu.memref_slice %arg8[%mul3A_3, %dma_start3A_176] : memref<160x512xf32, #tpu.memory_space<hbm>> -> memref<8x512xf32, #tpu.memory_space<hbm>>
        tpu.enqueue_dma source(%arg15 : memref<8x512xf32, #tpu.memory_space<vmem>>) target(%dma_start3A_177 : memref<8x512xf32, #tpu.memory_space<hbm>>) target_semaphore(%run_scoped3A : memref<!tpu.dma_semaphore, #tpu.memory_space<semaphore_mem>>)
        %dma_wait3A_178 = arith.constant 0 : i32
        %dma_wait3A_179 = tpu.memref_slice %arg8[%mul3A_3, %dma_wait3A_178] : memref<160x512xf32, #tpu.memory_space<hbm>> -> memref<8x512xf32, #tpu.memory_space<hbm>>
        %dma_wait3A_180 = arith.constant 0 : i32
        %dma_wait3A_181 = tpu.memref_slice %arg8[%mul3A_3, %dma_wait3A_180] : memref<160x512xf32, #tpu.memory_space<hbm>> -> memref<8x512xf32, #tpu.memory_space<hbm>>
        tpu.wait_dma2 semaphore(%run_scoped3A : memref<!tpu.dma_semaphore, #tpu.memory_space<semaphore_mem>>) src(%arg15 : memref<8x512xf32, #tpu.memory_space<vmem>>) dst(%dma_wait3A_181 : memref<8x512xf32, #tpu.memory_space<hbm>>)
        tpu.yield
      }) : () -> ()
      %dma_wait3A_171 = arith.constant 0 : i32
      %dma_wait3A_172 = arith.constant 0 : i32
      %dma_wait3A_173 = tpu.memref_slice %arg6[%dma_wait3A_171, %dma_wait3A_172] : memref<500x512xf32, #tpu.memory_space<hbm>> -> memref<500x512xf32, #tpu.memory_space<hbm>>
      tpu.wait_indirect_dma semaphore(%arg22 : memref<!tpu.dma_semaphore, #tpu.memory_space<semaphore_mem>>) src(%dma_wait3A_173 : memref<500x512xf32, #tpu.memory_space<hbm>>) dst(%arg16 : memref<8x512xf32, #tpu.memory_space<vmem>>)
      "tpu.region"() ({
        %run_scoped3A = tpu.sem_alloc : memref<!tpu.dma_semaphore, #tpu.memory_space<semaphore_mem>>
        %dma_start3A_174 = arith.constant 0 : i32
        %dma_start3A_175 = tpu.memref_slice %arg9[%mul3A_3, %dma_start3A_174] : memref<160x512xf32, #tpu.memory_space<hbm>> -> memref<8x512xf32, #tpu.memory_space<hbm>>
        %dma_start3A_176 = arith.constant 0 : i32
        %dma_start3A_177 = tpu.memref_slice %arg9[%mul3A_3, %dma_start3A_176] : memref<160x512xf32, #tpu.memory_space<hbm>> -> memref<8x512xf32, #tpu.memory_space<hbm>>
        tpu.enqueue_dma source(%arg16 : memref<8x512xf32, #tpu.memory_space<vmem>>) target(%dma_start3A_177 : memref<8x512xf32, #tpu.memory_space<hbm>>) target_semaphore(%run_scoped3A : memref<!tpu.dma_semaphore, #tpu.memory_space<semaphore_mem>>)
        %dma_wait3A_178 = arith.constant 0 : i32
        %dma_wait3A_179 = tpu.memref_slice %arg9[%mul3A_3, %dma_wait3A_178] : memref<160x512xf32, #tpu.memory_space<hbm>> -> memref<8x512xf32, #tpu.memory_space<hbm>>
        %dma_wait3A_180 = arith.constant 0 : i32
        %dma_wait3A_181 = tpu.memref_slice %arg9[%mul3A_3, %dma_wait3A_180] : memref<160x512xf32, #tpu.memory_space<hbm>> -> memref<8x512xf32, #tpu.memory_space<hbm>>
        tpu.wait_dma2 semaphore(%run_scoped3A : memref<!tpu.dma_semaphore, #tpu.memory_space<semaphore_mem>>) src(%arg16 : memref<8x512xf32, #tpu.memory_space<vmem>>) dst(%dma_wait3A_181 : memref<8x512xf32, #tpu.memory_space<hbm>>)
        tpu.yield
      }) : () -> ()
    } else {
    }
    return
  }
}

module attributes {stable_mosaic.version = 14 : i64} {
  func.func @_attn_body(%arg0: i32, %arg1: memref<4096x512xf32, #tpu.memory_space<vmem>>, %arg2: memref<4096xi32, #tpu.memory_space<vmem>>, %arg3: memref<160x512xf32, #tpu.memory_space<vmem>>, %arg4: memref<160x512xf32, #tpu.memory_space<vmem>>, %arg5: memref<1536x512xf32, #tpu.memory_space<vmem>>, %arg6: memref<1x512xf32, #tpu.memory_space<vmem>>, %arg7: memref<512x1xf32, #tpu.memory_space<vmem>>, %arg8: memref<160x1536xf32, #tpu.memory_space<vmem>>, %arg9: memref<160x512xf32, #tpu.memory_space<vmem>>, %arg10: memref<160x512xf32, #tpu.memory_space<vmem>>, %arg11: memref<160x1xf32, #tpu.memory_space<vmem>>) attributes {dimension_semantics = [#tpu.dimension_semantics<arbitrary>], iteration_bounds = array<i64: 4>, scalar_prefetch = 0 : i64, scratch_operands = 3 : i64, tpu.core_type = #tpu.core_type<tc>, window_params = [{transform_indices = @transform_0, window_bounds = array<i64: 4096, 512>}, {transform_indices = @transform_1, window_bounds = array<i64: 4096>}, {pipeline_mode = #tpu.pipeline_mode<synchronous>, transform_indices = @transform_2, window_bounds = array<i64: 160, 512>}, {pipeline_mode = #tpu.pipeline_mode<synchronous>, transform_indices = @transform_3, window_bounds = array<i64: 160, 512>}, {pipeline_mode = #tpu.pipeline_mode<synchronous>, transform_indices = @transform_4, window_bounds = array<i64: 1536, 512>}, {pipeline_mode = #tpu.pipeline_mode<synchronous>, transform_indices = @transform_5, window_bounds = array<i64: 1, 512>}, {pipeline_mode = #tpu.pipeline_mode<synchronous>, transform_indices = @transform_6, window_bounds = array<i64: 512, 1>}, {pipeline_mode = #tpu.pipeline_mode<synchronous>, transform_indices = @transform_7, window_bounds = array<i64: 160, 1536>}]} {
    %eq3A = arith.constant 0 : i32
    %eq3A_0 = arith.cmpi eq, %arg0, %eq3A : i32
    %convert_element_type3A = arith.extui %eq3A_0 : i1 to i32
    %cond3A = arith.constant 0 : i32
    %cond3A_1 = arith.cmpi ne, %convert_element_type3A, %cond3A : i32
    scf.if %cond3A_1 {
      %get3A_60 = arith.constant 0 : index
      %get3A_61 = arith.constant 0 : index
      %get3A_62 = vector.load %arg3[%get3A_60, %get3A_61] : memref<160x512xf32, #tpu.memory_space<vmem>>, vector<160x512xf32>
      %convert_element_type3A_63 = arith.truncf %get3A_62 : vector<160x512xf32> to vector<160x512xbf16>
      %get3A_64 = arith.constant 512 : index
      %get3A_65 = arith.constant 0 : index
      %get3A_66 = vector.load %arg5[%get3A_64, %get3A_65] : memref<1536x512xf32, #tpu.memory_space<vmem>>, vector<512x512xf32>
      %convert_element_type3A_67 = arith.truncf %get3A_66 : vector<512x512xf32> to vector<512x512xbf16>
      %dot_general3A_68 = arith.constant dense<0.000000e+00> : vector<160x512xf32>
      %dot_general3A_69 = tpu.matmul %convert_element_type3A_63, %convert_element_type3A_67, %dot_general3A_68 {dimension_numbers = #tpu.dot_dimension_numbers<[1], [0], [0], [1], [0, 0, 1, 1], [], []>, transpose_lhs_hint = false} : vector<160x512xbf16>, vector<512x512xbf16>, vector<160x512xf32> -> vector<160x512xf32>
      %get3A_70 = arith.constant 0 : index
      %get3A_71 = arith.constant 0 : index
      %get3A_72 = vector.load %arg4[%get3A_70, %get3A_71] : memref<160x512xf32, #tpu.memory_space<vmem>>, vector<160x512xf32>
      %convert_element_type3A_73 = arith.truncf %get3A_72 : vector<160x512xf32> to vector<160x512xbf16>
      %get3A_74 = arith.constant 1024 : index
      %get3A_75 = arith.constant 0 : index
      %get3A_76 = vector.load %arg5[%get3A_74, %get3A_75] : memref<1536x512xf32, #tpu.memory_space<vmem>>, vector<512x512xf32>
      %convert_element_type3A_77 = arith.truncf %get3A_76 : vector<512x512xf32> to vector<512x512xbf16>
      %dot_general3A_78 = arith.constant dense<0.000000e+00> : vector<160x512xf32>
      %dot_general3A_79 = tpu.matmul %convert_element_type3A_73, %convert_element_type3A_77, %dot_general3A_78 {dimension_numbers = #tpu.dot_dimension_numbers<[1], [0], [0], [1], [0, 0, 1, 1], [], []>, transpose_lhs_hint = false} : vector<160x512xbf16>, vector<512x512xbf16>, vector<160x512xf32> -> vector<160x512xf32>
      %add3A_80 = arith.addf %dot_general3A_69, %dot_general3A_79 : vector<160x512xf32>
      %get3A_81 = arith.constant 0 : index
      %get3A_82 = arith.constant 0 : index
      %get3A_83 = vector.load %arg6[%get3A_81, %get3A_82] : memref<1x512xf32, #tpu.memory_space<vmem>>, vector<1x512xf32>
      %add3A_84 = vector.broadcast %get3A_83 : vector<1x512xf32> to vector<160x512xf32>
      %add3A_85 = arith.addf %add3A_80, %add3A_84 : vector<160x512xf32>
      %swap3A_86 = arith.constant 0 : index
      %swap3A_87 = arith.constant 0 : index
      %swap3A_88 = vector.load %arg9[%swap3A_86, %swap3A_87] : memref<160x512xf32, #tpu.memory_space<vmem>>, vector<160x512xf32>
      tpu.vector_store %arg9[%swap3A_86, %swap3A_87], %add3A_85 {strides = array<i32>} : memref<160x512xf32, #tpu.memory_space<vmem>>, vector<160x512xf32>,
      %broadcast_in_dim3A_89 = arith.constant 0.000000e+00 : f32
      %broadcast_in_dim3A_90 = vector.broadcast %broadcast_in_dim3A_89 : f32 to vector<160x512xf32>
      %swap3A_91 = arith.constant 0 : index
      %swap3A_92 = arith.constant 0 : index
      %swap3A_93 = vector.load %arg10[%swap3A_91, %swap3A_92] : memref<160x512xf32, #tpu.memory_space<vmem>>, vector<160x512xf32>
      tpu.vector_store %arg10[%swap3A_91, %swap3A_92], %broadcast_in_dim3A_90 {strides = array<i32>} : memref<160x512xf32, #tpu.memory_space<vmem>>, vector<160x512xf32>,
      %broadcast_in_dim3A_94 = arith.constant 0.000000e+00 : f32
      %broadcast_in_dim3A_95 = vector.broadcast %broadcast_in_dim3A_94 : f32 to vector<160x1xf32>
      %swap3A_96 = arith.constant 0 : index
      %swap3A_97 = arith.constant 0 : index
      %swap3A_98 = vector.load %arg11[%swap3A_96, %swap3A_97] : memref<160x1xf32, #tpu.memory_space<vmem>>, vector<160x1xf32>
      tpu.vector_store %arg11[%swap3A_96, %swap3A_97], %broadcast_in_dim3A_95 {strides = array<i32>} : memref<160x1xf32, #tpu.memory_space<vmem>>, vector<160x1xf32>,
    } else {
    }
    %get3A = arith.constant 0 : index
    %get3A_2 = arith.constant 0 : index
    %get3A_3 = vector.load %arg1[%get3A, %get3A_2] : memref<4096x512xf32, #tpu.memory_space<vmem>>, vector<4096x512xf32>
    %get3A_4 = arith.constant 0 : index
    %get3A_5 = vector.load %arg2[%get3A_4] : memref<4096xi32, #tpu.memory_space<vmem>>, vector<4096xi32>
    %broadcast_in_dim3A = vector.shape_cast %get3A_5 : vector<4096xi32> to vector<1x4096xi32>
    %iota3A = tpu.iota {dimensions = array<i32: 0>} : vector<160x4096xi32>
    %eq3A_6 = vector.broadcast %broadcast_in_dim3A : vector<1x4096xi32> to vector<160x4096xi32>
    %eq3A_7 = arith.cmpi eq, %eq3A_6, %iota3A : vector<160x4096xi32>
    %convert_element_type3A_8 = arith.extui %eq3A_7 : vector<160x4096xi1> to vector<160x4096xi32>
    %convert_element_type3A_9 = arith.sitofp %convert_element_type3A_8 : vector<160x4096xi32> to vector<160x4096xf32>
    %convert_element_type3A_10 = arith.truncf %convert_element_type3A_9 : vector<160x4096xf32> to vector<160x4096xbf16>
    %get3A_11 = arith.constant 0 : index
    %get3A_12 = arith.constant 0 : index
    %get3A_13 = vector.load %arg9[%get3A_11, %get3A_12] : memref<160x512xf32, #tpu.memory_space<vmem>>, vector<160x512xf32>
    %convert_element_type3A_14 = arith.truncf %get3A_13 : vector<160x512xf32> to vector<160x512xbf16>
    %dot_general3A = arith.constant dense<0.000000e+00> : vector<512x4096xf32>
    %dot_general3A_15 = tpu.matmul %convert_element_type3A_14, %convert_element_type3A_10, %dot_general3A {dimension_numbers = #tpu.dot_dimension_numbers<[0], [0], [1], [1], [0, 1, 1, 1], [], []>, transpose_lhs_hint = false} : vector<160x512xbf16>, vector<160x4096xbf16>, vector<512x4096xf32> -> vector<512x4096xf32>
    %get3A_16 = arith.constant 0 : index
    %get3A_17 = arith.constant 0 : index
    %get3A_18 = vector.load %arg5[%get3A_16, %get3A_17] : memref<1536x512xf32, #tpu.memory_space<vmem>>, vector<512x512xf32>
    %convert_element_type3A_19 = arith.truncf %get3A_18 : vector<512x512xf32> to vector<512x512xbf16>
    %convert_element_type3A_20 = arith.truncf %get3A_3 : vector<4096x512xf32> to vector<4096x512xbf16>
    %dot_general3A_21 = arith.constant dense<0.000000e+00> : vector<512x4096xf32>
    %dot_general3A_22 = tpu.matmul %convert_element_type3A_19, %convert_element_type3A_20, %dot_general3A_21 {dimension_numbers = #tpu.dot_dimension_numbers<[0], [1], [1], [0], [0, 1, 1, 0], [], []>, transpose_lhs_hint = false} : vector<512x512xbf16>, vector<4096x512xbf16>, vector<512x4096xf32> -> vector<512x4096xf32>
    %add3A = arith.addf %dot_general3A_22, %dot_general3A_15 : vector<512x4096xf32>
    %tanh3A = math.tanh %add3A : vector<512x4096xf32>
    %get3A_23 = arith.constant 0 : index
    %get3A_24 = arith.constant 0 : index
    %get3A_25 = vector.load %arg7[%get3A_23, %get3A_24] : memref<512x1xf32, #tpu.memory_space<vmem>>, vector<512x1xf32>
    %mul3A = vector.broadcast %get3A_25 : vector<512x1xf32> to vector<512x4096xf32>
    %mul3A_26 = arith.mulf %tanh3A, %mul3A : vector<512x4096xf32>
    %reduce_sum3A = arith.constant dense<0.000000e+00> : vector<4096xf32>
    %reduce_sum3A_27 = vector.multi_reduction <add>, %mul3A_26, %reduce_sum3A [0] : vector<512x4096xf32> to vector<4096xf32>
    %broadcast_in_dim3A_28 = vector.shape_cast %reduce_sum3A_27 : vector<4096xf32> to vector<1x4096xf32>
    %abs3A = math.absf %get3A_25 : vector<512x1xf32>
    %reduce_sum3A_29 = vector.shape_cast %abs3A : vector<512x1xf32> to vector<1x512x1xf32>
    %reduce_sum3A_30 = arith.constant dense<0.000000e+00> : vector<1xf32>
    %reduce_sum3A_31 = vector.multi_reduction <add>, %reduce_sum3A_29, %reduce_sum3A_30 [1, 2] : vector<1x512x1xf32> to vector<1xf32>
    %reduce_sum3A_32 = vector.shape_cast %reduce_sum3A_31 : vector<1xf32> to vector<1x1x1xf32>
    %reduce_sum3A_33 = vector.extract %reduce_sum3A_32[0, 0, 0] : f32 from vector<1x1x1xf32>
    %sub3A = vector.broadcast %reduce_sum3A_33 : f32 to vector<1x4096xf32>
    %sub3A_34 = arith.subf %broadcast_in_dim3A_28, %sub3A : vector<1x4096xf32>
    %exp3A = math.exp %sub3A_34 : vector<1x4096xf32>
    %mul3A_35 = vector.broadcast %exp3A : vector<1x4096xf32> to vector<160x4096xf32>
    %mul3A_36 = arith.mulf %convert_element_type3A_9, %mul3A_35 : vector<160x4096xf32>
    %get3A_37 = arith.constant 0 : index
    %get3A_38 = arith.constant 0 : index
    %get3A_39 = vector.load %arg10[%get3A_37, %get3A_38] : memref<160x512xf32, #tpu.memory_space<vmem>>, vector<160x512xf32>
    %dot_general3A_40 = arith.constant dense<0.000000e+00> : vector<160x512xf32>
    %dot_general3A_41 = tpu.matmul %mul3A_36, %get3A_3, %dot_general3A_40 {dimension_numbers = #tpu.dot_dimension_numbers<[1], [0], [0], [1], [0, 0, 1, 1], [], []>, transpose_lhs_hint = false} : vector<160x4096xf32>, vector<4096x512xf32>, vector<160x512xf32> -> vector<160x512xf32>
    %add3A_42 = arith.addf %get3A_39, %dot_general3A_41 : vector<160x512xf32>
    %swap3A = arith.constant 0 : index
    %swap3A_43 = arith.constant 0 : index
    %swap3A_44 = vector.load %arg10[%swap3A, %swap3A_43] : memref<160x512xf32, #tpu.memory_space<vmem>>, vector<160x512xf32>
    tpu.vector_store %arg10[%swap3A, %swap3A_43], %add3A_42 {strides = array<i32>} : memref<160x512xf32, #tpu.memory_space<vmem>>, vector<160x512xf32>,
    %get3A_45 = arith.constant 0 : index
    %get3A_46 = arith.constant 0 : index
    %get3A_47 = vector.load %arg11[%get3A_45, %get3A_46] : memref<160x1xf32, #tpu.memory_space<vmem>>, vector<160x1xf32>
    %reduce_sum3A_48 = arith.constant dense<0.000000e+00> : vector<160xf32>
    %reduce_sum3A_49 = vector.multi_reduction <add>, %mul3A_36, %reduce_sum3A_48 [1] : vector<160x4096xf32> to vector<160xf32>
    %broadcast_in_dim3A_50 = vector.shape_cast %reduce_sum3A_49 : vector<160xf32> to vector<160x1xf32>
    %add3A_51 = arith.addf %get3A_47, %broadcast_in_dim3A_50 : vector<160x1xf32>
    %swap3A_52 = arith.constant 0 : index
    %swap3A_53 = arith.constant 0 : index
    %swap3A_54 = vector.load %arg11[%swap3A_52, %swap3A_53] : memref<160x1xf32, #tpu.memory_space<vmem>>, vector<160x1xf32>
    tpu.vector_store %arg11[%swap3A_52, %swap3A_53], %add3A_51 {strides = array<i32>} : memref<160x1xf32, #tpu.memory_space<vmem>>, vector<160x1xf32>,
    %eq3A_55 = arith.constant 3 : i32
    %eq3A_56 = arith.cmpi eq, %arg0, %eq3A_55 : i32
    %convert_element_type3A_57 = arith.extui %eq3A_56 : i1 to i32
    %cond3A_58 = arith.constant 0 : i32
    %cond3A_59 = arith.cmpi ne, %convert_element_type3A_57, %cond3A_58 : i32
    scf.if %cond3A_59 {
      %get3A_60 = arith.constant 0 : index
      %get3A_61 = arith.constant 0 : index
      %get3A_62 = vector.load %arg11[%get3A_60, %get3A_61] : memref<160x1xf32, #tpu.memory_space<vmem>>, vector<160x1xf32>
      %gt3A = arith.constant 0.000000e+00 : f32
      %gt3A_63 = vector.broadcast %gt3A : f32 to vector<160x1xf32>
      %gt3A_64 = arith.cmpf ogt, %get3A_62, %gt3A_63 : vector<160x1xf32>
      %convert_element_type3A_65 = arith.extui %gt3A_64 : vector<160x1xi1> to vector<160x1xi32>
      %convert_element_type3A_66 = arith.sitofp %convert_element_type3A_65 : vector<160x1xi32> to vector<160x1xf32>
      %get3A_67 = arith.constant 0 : index
      %get3A_68 = arith.constant 0 : index
      %get3A_69 = vector.load %arg10[%get3A_67, %get3A_68] : memref<160x512xf32, #tpu.memory_space<vmem>>, vector<160x512xf32>
      %max3A = arith.constant 9.99999991E-38 : f32
      %max3A_70 = vector.broadcast %max3A : f32 to vector<160x1xf32>
      %max3A_71 = arith.maximumf %get3A_62, %max3A_70 : vector<160x1xf32>
      %div3A = vector.broadcast %max3A_71 : vector<160x1xf32> to vector<160x512xf32>
      %div3A_72 = arith.divf %get3A_69, %div3A : vector<160x512xf32>
      %mul3A_73 = vector.broadcast %convert_element_type3A_66 : vector<160x1xf32> to vector<160x512xf32>
      %mul3A_74 = arith.mulf %div3A_72, %mul3A_73 : vector<160x512xf32>
      %swap3A_75 = arith.constant 0 : index
      %swap3A_76 = arith.constant 0 : index
      %swap3A_77 = vector.load %arg8[%swap3A_75, %swap3A_76] : memref<160x1536xf32, #tpu.memory_space<vmem>>, vector<160x512xf32>
      tpu.vector_store %arg8[%swap3A_75, %swap3A_76], %mul3A_74 {strides = array<i32>} : memref<160x1536xf32, #tpu.memory_space<vmem>>, vector<160x512xf32>,
      %get3A_78 = arith.constant 0 : index
      %get3A_79 = arith.constant 0 : index
      %get3A_80 = vector.load %arg3[%get3A_78, %get3A_79] : memref<160x512xf32, #tpu.memory_space<vmem>>, vector<160x512xf32>
      %mul3A_81 = vector.broadcast %convert_element_type3A_66 : vector<160x1xf32> to vector<160x512xf32>
      %mul3A_82 = arith.mulf %get3A_80, %mul3A_81 : vector<160x512xf32>
      %swap3A_83 = arith.constant 0 : index
      %swap3A_84 = arith.constant 512 : index
      %swap3A_85 = vector.load %arg8[%swap3A_83, %swap3A_84] : memref<160x1536xf32, #tpu.memory_space<vmem>>, vector<160x512xf32>
      tpu.vector_store %arg8[%swap3A_83, %swap3A_84], %mul3A_82 {strides = array<i32>} : memref<160x1536xf32, #tpu.memory_space<vmem>>, vector<160x512xf32>,
      %get3A_86 = arith.constant 0 : index
      %get3A_87 = arith.constant 0 : index
      %get3A_88 = vector.load %arg4[%get3A_86, %get3A_87] : memref<160x512xf32, #tpu.memory_space<vmem>>, vector<160x512xf32>
      %mul3A_89 = vector.broadcast %convert_element_type3A_66 : vector<160x1xf32> to vector<160x512xf32>
      %mul3A_90 = arith.mulf %get3A_88, %mul3A_89 : vector<160x512xf32>
      %swap3A_91 = arith.constant 0 : index
      %swap3A_92 = arith.constant 1024 : index
      %swap3A_93 = vector.load %arg8[%swap3A_91, %swap3A_92] : memref<160x1536xf32, #tpu.memory_space<vmem>>, vector<160x512xf32>
      tpu.vector_store %arg8[%swap3A_91, %swap3A_92], %mul3A_90 {strides = array<i32>} : memref<160x1536xf32, #tpu.memory_space<vmem>>, vector<160x512xf32>,
    } else {
    }
    return
  }
  func.func @transform_0(%arg0: i32) -> (i32, i32) {
    %c0_i32 = arith.constant 0 : i32
    %c0_i32_0 = arith.constant 0 : i32
    return %arg0, %c0_i32 : i32, i32
  }
  func.func @transform_1(%arg0: i32) -> i32 {
    %c0_i32 = arith.constant 0 : i32
    return %arg0 : i32
  }
  func.func @transform_2(%arg0: i32) -> (i32, i32) {
    %c0_i32 = arith.constant 0 : i32
    %c0_i32_0 = arith.constant 0 : i32
    %c0_i32_1 = arith.constant 0 : i32
    return %c0_i32, %c0_i32_0 : i32, i32
  }
  func.func @transform_3(%arg0: i32) -> (i32, i32) {
    %c0_i32 = arith.constant 0 : i32
    %c0_i32_0 = arith.constant 0 : i32
    %c0_i32_1 = arith.constant 0 : i32
    return %c0_i32, %c0_i32_0 : i32, i32
  }
  func.func @transform_4(%arg0: i32) -> (i32, i32) {
    %c0_i32 = arith.constant 0 : i32
    %c0_i32_0 = arith.constant 0 : i32
    %c0_i32_1 = arith.constant 0 : i32
    return %c0_i32, %c0_i32_0 : i32, i32
  }
  func.func @transform_5(%arg0: i32) -> (i32, i32) {
    %c0_i32 = arith.constant 0 : i32
    %c0_i32_0 = arith.constant 0 : i32
    %c0_i32_1 = arith.constant 0 : i32
    return %c0_i32, %c0_i32_0 : i32, i32
  }
  func.func @transform_6(%arg0: i32) -> (i32, i32) {
    %c0_i32 = arith.constant 0 : i32
    %c0_i32_0 = arith.constant 0 : i32
    %c0_i32_1 = arith.constant 0 : i32
    return %c0_i32, %c0_i32_0 : i32, i32
  }
  func.func @transform_7(%arg0: i32) -> (i32, i32) {
    %c0_i32 = arith.constant 0 : i32
    %c0_i32_0 = arith.constant 0 : i32
    %c0_i32_1 = arith.constant 0 : i32
    return %c0_i32, %c0_i32_0 : i32, i32
  }
}

</mosaic_0001>

<sc_bundles>
// kernel: kernel.4.cloned.1.call-start
scs
__scs_entry_jumppad:
0x0: {  	(pc) =	sbr.rel $0x88, $3  }
0x1: {  	(tag) =	ssettag $0x0;
	lr =	simm.s32 $0x1  }
0x2: {  	[smem:$0x3F98] =	sst lr;
	_ =	strace $0xD0000000  }
0x3: {  	_ = 	snop  }
0x4: {  	_ = 	snop  }
0x5: {  	_ = 	snop  }
0x6: {  	_ = 	snop  }
0x7: {  	_ = 	snop  }
__scs_overlays_trampoline_lowered:
0x8: {  	[smem:$0x3FA7] =	sst s0  }
0x9: {  	[smem:$0x3FA8] =	sst s1  }
0xa: {  	[smem:$0x3FA9] =	sst s2  }
0xb: {  	[smem:$0x3FAA] =	sst s3  }
0xc: {  	[smem:$0x3FAB] =	sst s4  }
0xd: {  	[smem:$0x3FAC] =	sst s5  }
0xe: {  	[smem:$0x3FAD] =	sst s6  }
0xf: {  	[smem:$0x3FAE] =	sst s7  }
0x10: {  	[smem:$0x3FAF] =	sst s8  }
0x11: {  	[smem:$0x3FB0] =	sst s9;
	s0 =	simm.s32 @!p0 $0x0  }
0x12: {  	s1 =	sld [smem:$0x3F96];
	s0 =	simm.s32 @p0 $0x1  }
0x13: {  	[smem:$0x3FB1] =	sst s0;
	s0 =	simm.s32 @!p1 $0x0  }
0x14: {  	s2 =	sld [smem:$0x3F95];
	s0 =	simm.s32 @p1 $0x1  }
0x15: {  	[smem:$0x3FB2] =	sst s0;
	s0 =	simm.s32 @!p2 $0x0  }
0x16: {  	s3 =	sld [smem:$0x3FDB];
	s0 =	simm.s32 @p2 $0x1  }
0x17: {  	s4 =	simm.s32 $0x1BF5;
	[smem:$0x3FB4] =	sst s0  }
0x18: {  	s0 =	sld [smem:$0x3F97];
	_ =	swait.ge [sflag:s4], $0x0  }
0x19: {  	s7 =	sld [smem:$0x3F98]  }
0x1a: {  	s8 =	sadd.s32 $0xFFFFE003, lr  }
0x1b: {  	s9 =	sadd.s32 $0xFFFFFEF7, lr;
	s5 =	simm.s32 $0xFFFFFFFF;
	p2 =	slt.u32 s8, $0xFFFFF086  }
0x1c: {  	p1 =	slt.u32 s9, $0xF7A;
	s5 =	simm.s32 @!p2 $0x0  }
0x1d: {  	s5 =	simm.s32 @p1 $0x1;
	p0 =	seq.s32 s7, s2  }
0x1e: {  	s7 =	smul.u32 @!p0 $0xF7A, s2;
	p2 =	seq.s32 @!p0 s5, $0x0  }
0x1f: {  	s9 =	smul.u32 $0xF7A, s1;
	s8 =	simm.s32 @!p0 $0x1BF5;
	p2 =	por !p2, p0  }
0x20: {  	[sflag:s8] =	ssyncset.s32 @!p0 $0xFFFFF086;
	s6 =	sadd.s32 @!p0 s3, s7;
	s7 =	simm.s32 @!p0 $0x108  }
0x21: {  	s3 =	sadd.s32 s3, s9;
	s6 =	sadd.s32 @!p0 $0x88, s6;
	s7 =	simm.s32 @p2 $0x1082  }
0x22: {  	[simem:s7], [sflag:s8] =	dma.local @!p0 [hbm:s6], $0xF7A  }
0x23: {  	s9 =	sor.u32 $0xD0000000, s2;
	s6 =	simm.s32 $0x108;
	_ =	swait.ge @!p0 [sflag:s8], $0x0  }
0x24: {  	s3 =	sadd.s32 $0x88, s3;
	s6 =	simm.s32 @!p1 $0x1082;
	[sflag:s4] =	ssyncset.s32 $0xFFFFF086  }
0x25: {  	[simem:s6], [sflag:s4] =	dma.local [hbm:s3], $0xF7A  }
0x26: {  	[smem:$0x3F98] =	sst s1;
	(tag) =	ssettag s2;
	_ =	strace s9  }
0x27: {  	s1 =	sld [smem:$0x3FA8]  }
0x28: {  	s2 =	sld [smem:$0x3FA9]  }
0x29: {  	s4 =	sld [smem:$0x3FAB]  }
0x2a: {  	p0 =	seq.s32 s5, $0x0;
	s5 =	sld [smem:$0x3FAC]  }
0x2b: {  	s6 =	sld [smem:$0x3FAD]  }
0x2c: {  	s7 =	sld [smem:$0x3FAE]  }
0x2d: {  	s3 =	simm.s32 $0x108;
	s8 =	sld [smem:$0x3FAF]  }
0x2e: {  	s3 =	simm.s32 @!p0 $0x1082;
	s9 =	sld [smem:$0x3FB0]  }
0x2f: {  	lr =	sadd.s32 s0, s3;
	s0 =	sld [smem:$0x3FA7]  }
0x30: {  	s3 =	sld [smem:$0x3FAA]  }
0x31: {  	[smem:$0x3FB3] =	sst s10  }
0x32: {  	s10 =	sld [smem:$0x3FB1];
	_ =	sdelay $0x3  }
0x33: {  	p0 =	seq.s32 s10, $0x1;
	s10 =	sld [smem:$0x3FB3];
	_ =	sdelay $0x3  }
0x34: {  	[smem:$0x3FB3] =	sst s10  }
0x35: {  	s10 =	sld [smem:$0x3FB2];
	_ =	sdelay $0x3  }
0x36: {  	p1 =	seq.s32 s10, $0x1;
	s10 =	sld [smem:$0x3FB3];
	_ =	sdelay $0x3  }
0x37: {  	[smem:$0x3FB3] =	sst s10  }
0x38: {  	s10 =	sld [smem:$0x3FB4]  }
0x39: {  	_ = 	snop;
	(pc) =	sbr.ind lr, $3  }
0x3a: {  	_ = 	snop  }
0x3b: {  	_ = 	snop  }
0x3c: {  	p2 =	seq.s32 s10, $0x1;
	s10 =	sld [smem:$0x3FB3]  }
0x3d: {  	_ =	shalt  }
0x3e: {  	_ =	shalt  }
0x3f: {  	_ =	shalt  }
0x40: {  	_ =	shalt  }
0x41: {  	_ =	shalt  }
0x42: {  	_ =	shalt  }
0x43: {  	_ =	shalt  }
0x44: {  	_ =	shalt  }
0x45: {  	_ =	shalt  }
0x46: {  	_ =	shalt  }
0x47: {  	_ =	shalt  }
0x48: {  	_ =	shalt  }
0x49: {  	_ =	shalt  }
0x4a: {  	_ =	shalt  }
0x4b: {  	_ =	shalt  }
0x4c: {  	_ =	shalt  }
0x4d: {  	_ =	shalt  }
0x4e: {  	_ =	shalt  }
0x4f: {  	_ =	shalt  }
0x50: {  	_ =	shalt  }
0x51: {  	_ =	shalt  }
0x52: {  	_ =	shalt  }
0x53: {  	_ =	shalt  }
0x54: {  	_ =	shalt  }
0x55: {  	_ =	shalt  }
0x56: {  	_ =	shalt  }
0x57: {  	_ =	shalt  }
0x58: {  	_ =	shalt  }
0x59: {  	_ =	shalt  }
0x5a: {  	_ =	shalt  }
0x5b: {  	_ =	shalt  }
0x5c: {  	_ =	shalt  }
0x5d: {  	_ =	shalt  }
0x5e: {  	_ =	shalt  }
0x5f: {  	_ =	shalt  }
0x60: {  	_ =	shalt  }
0x61: {  	_ =	shalt  }
0x62: {  	_ =	shalt  }
0x63: {  	_ =	shalt  }
0x64: {  	_ =	shalt  }
0x65: {  	_ =	shalt  }
0x66: {  	_ =	shalt  }
0x67: {  	_ =	shalt  }
0x68: {  	_ =	shalt  }
0x69: {  	_ =	shalt  }
0x6a: {  	_ =	shalt  }
0x6b: {  	_ =	shalt  }
0x6c: {  	_ =	shalt  }
0x6d: {  	_ =	shalt  }
0x6e: {  	_ =	shalt  }
0x6f: {  	_ =	shalt  }
0x70: {  	_ =	shalt  }
0x71: {  	_ =	shalt  }
0x72: {  	_ =	shalt  }
0x73: {  	_ =	shalt  }
0x74: {  	_ =	shalt  }
0x75: {  	_ =	shalt  }
0x76: {  	_ =	shalt  }
0x77: {  	_ =	shalt  }
0x78: {  	_ =	shalt  }
0x79: {  	_ =	shalt  }
0x7a: {  	_ =	shalt  }
0x7b: {  	_ =	shalt  }
0x7c: {  	_ =	shalt  }
0x7d: {  	_ =	shalt  }
0x7e: {  	_ =	shalt  }
0x7f: {  	_ =	shalt  }
0x80: {  	_ =	shalt  }
0x81: {  	_ =	shalt  }
0x82: {  	_ =	shalt  }
0x83: {  	_ =	shalt  }
0x84: {  	_ =	shalt  }
0x85: {  	_ =	shalt  }
0x86: {  	_ =	shalt  }
0x87: {  	_ =	shalt  }
.Lfunc_end0:
.L_simem_size_0:
called_computation_lowered:
.L_overlay_start_0:
0x88: {  	s2 =	sld [smem:$0x3FD9]  }
0x89: {  	s3 =	sld [smem:$0x3FFE];
	_ =	sdelay $0x1  }
0x8a: {  	s1 =	srdreg.scid  }
0x8b: {  	s0 =	sand.u32 $0x1, s1  }
0x8c: {  	s17 =	sshll.u32 s0, $0xA;
	s2 =	sadd.s32 s3, s2  }
0x8d: {  	s2 =	sadd.s32 s2, s17  }
0x8e: {  	[smem:$0x3FBF] =	sst s2  }
0x8f: {  	_ = 	snop  }
0x90: {  	s2 =	sld [smem:$0x3FC9]  }
0x91: {  	s18 =	sld [smem:$0x3FC7]  }
0x92: {  	s4 =	sld [smem:$0x3FC6]  }
0x93: {  	s5 =	sld [smem:$0x3FC5]  }
0x94: {  	s6 =	sld [smem:$0x3FC4]  }
0x95: {  	s7 =	sld [smem:$0x3FD0];
	(tm) =	ssettm $0x1  }
0x96: {  	s8 =	sld [smem:$0x3FFB];
	_ =	sdelay $0x3  }
0x97: {  	_ =	strace s8  }
0x98: {  	s8 =	sld [smem:$0x3FFC];
	_ =	sdelay $0x3  }
0x99: {  	_ =	strace s8  }
0x9a: {  	s8 =	sld [smem:$0x3FFD];
	_ =	sdelay $0x3  }
0x9b: {  	_ =	strace s8  }
0x9c: {  	_ =	strace $0x8FFFFFFF  }
0x9d: {  	s19 =	sld [smem:$0x3FDB];
	_ =	sdelay $0x1  }
0x9e: {  	s9 =	simm.s32 $_scs_section_size  }
0x9f: {  	s10 =	simm.s32 $_size__tile_overlayer_lowered;
	s11 =	simm.s32 $_tile_overlayer_lowered  }
0xa0: {  	s22 =	simm.s32 $0x1BFF;
	s21 =	sshll.u32 s11, $0x1;
	s8 =	sadd.s32 s9, s19  }
0xa1: {  	s12 =	simm.s32 $0x0;
	s20 =	sshll.u32 s10, $0x1;
	s10 =	sadd.s32 s21, s8  }
0xa2: {  	[timem:s12], [sflag:s22] =	dma.local [hbm:s10], s20  }
0xa3: {  	_ =	swait.ge [sflag:s22], s20  }
0xa4: {  	s9 =	ssub.s32 $0x0, s20;
	[sflag:s22] =	ssyncset.done $0x0  }
0xa5: {  	[sflag:s22] =	ssyncadd.s32 s9;
	_ =	sdelay $0x1  }
0xa6: {  	s23 =	simm.s32 $0x1B8B  }
0xa7: {  	_ =	swait.ge [sflag:s23], $0x1  }
0xa8: {  	[sflag:s23] =	ssyncset.done $0x0  }
0xa9: {  	s25 =	simm.s32 $0x1B8E;
	s24 =	sld [smem:$0x3FFE];
	[sflag:s23] =	ssyncadd.s32 $0xFFFFFFFF  }
0xaa: {  	s26 =	simm.s32 $execute0_lowered;
	[smem:$0x3FD2] =	sst s25  }
0xab: {  	s10 =	sshll.u32 s26, $0x1;
	_ =	strace $0x80000046;
	[dreg:$0x1] =	wrdreg $0xFFFFFFFF  }
0xac: {  	s28 =	simm.s32 $_size_execute0_lowered;
	s8 =	sadd.s32 s8, s10;
	[dreg:$0x0] =	wrdreg $0x0  }
0xad: {  	s10 =	sshll.u32 s28, $0x1;
	[dreg:$0x2] =	wrdreg s8  }
0xae: {  	[dreg:$0x3] =	wrdreg s10  }
0xaf: {  	[dreg:$0x4] =	wrdreg $0xC0  }
0xb0: {  	_ =	task [dreg:s12], $0x5FFFF  }
0xb1: {  	[dreg:$0x1] =	wrdreg $0xFFFFFFFF  }
0xb2: {  	[dreg:$0x0] =	wrdreg $0x60  }
0xb3: {  	[dreg:$0x2] =	wrdreg s2  }
0xb4: {  	[dreg:$0x3] =	wrdreg s18  }
0xb5: {  	[dreg:$0x4] =	wrdreg s4  }
0xb6: {  	[dreg:$0x5] =	wrdreg s5  }
0xb7: {  	[dreg:$0x6] =	wrdreg s6  }
0xb8: {  	[dreg:$0x7] =	wrdreg s24  }
0xb9: {  	[dreg:$0x8] =	wrdreg s7  }
0xba: {  	[dreg:$0x9] =	wrdreg $0x9  }
0xbb: {  	_ =	task.clear_ibuf [dreg:s12], $0xAFFFF;
	_ =	strace $0x90000046  }
0xbc: {  	s29 =	simm.s32 $0x9;
	_ =	strace $0x80000048  }
0xbd: {  	_ =	swait.ge [sflag:s29], $0x1  }
0xbe: {  	[sflag:s29] =	ssyncadd.s32 $0xFFFFFFFF  }
0xbf: {  	_ =	strace $0x90000048  }
0xc0: {  	_ =	sfence  }
0xc1: {  	s30 =	sld [smem:$0x0];
	_ =	sdelay $0x2  }
0xc2: {  	s31 =	sshll.u32 s1, $0xD;
	s1 =	sshrl.u32 s1, $0x2  }
0xc3: {  	s3 =	sand.u32 $0x4000, s31;
	s1 =	sadd.s32 s1, s30  }
0xc4: {  	s0 =	sor.u32 s3, s0;
	s1 =	sshll.u32 s1, $0x11  }
0xc5: {  	s0 =	sor.u32 s1, s0  }
0xc6: {  	s0 =	sadd.s32 $0x8F2B, s0  }
0xc7: {  	[sflag:s0] =	ssyncadd.remote.s32 $0x1  }
0xc8: {  	_ =	sfence.sel $0xFFFF  }
0xc9: {  	[dreg:$0x0] =	wrdreg $0xFFFFFFFF;
	(pc) =	sbr.abs _section_cstart, $3  }
0xca: {  	[dreg:$0x1] =	wrdreg $0xFFFFFFFF  }
0xcb: {  	_ =	task.clear_ibuf [dreg:s12], $0x2FFFF;
	_ =	strace $0x9FFFFFFF  }
0xcc: {  	(tm) =	ssettm $0x7FFFFFFF  }
0xcd: {  	_ =	shalt  }
tec
execute0_lowered:
.L_overlay_start_1:
0x0: {  	(tag) =	ssettag $0x1  }
0x1: {  	s0 =	rddreg [dreg:$0x0]  }
0x2: {  	s2 =	rddreg [dreg:$0x1]  }
0x3: {  	s3 =	rddreg [dreg:$0x2]  }
0x4: {  	s1 =	rddreg [dreg:$0x3]  }
0x5: {  	s10 =	rddreg [dreg:$0x4]  }
0x6: {  	s5 =	rddreg [dreg:$0x5]  }
0x7: {  	s6 =	rddreg [dreg:$0x6]  }
0x8: {  	s7 =	srdreg.scid;
	s11 =	stileid.u32  }
0x9: {  	s4 =	simm.s32 $0x0;
	s7 =	sand.u32 $0x1, s7;
	s8 =	sshll.u32 s11, $0x1  }
0xa: {  	[smem:$0x7FF] =	sst s4;
	s15 =	sadd.s32 $0x100, s10;
	p0 =	sgt.u32 s11, $0x9  }
0xb: {  	s11 =	simm.s32 $0x200;
	s8 =	sor.u32 s7, s8;
	_ =	strace $0x80000047  }
0xc: {  	[dreg:$0xa] =	wrdreg s15;
	s2 =	sadd.s32 s2, s8;
	s9 =	sshll.u32 s8, $0xF  }
0xd: {  	s14 =	sadd.s32 s3, s8;
	s16 =	sshll.u32 s8, $0x6;
	[dreg:$0x8] =	wrdreg s2  }
0xe: {  	s23 =	sshll.u32 s8, $0x9;
	[dreg:$0x9] =	wrdreg s14;
	s0 =	sadd.s32 s0, s16  }
0xf: {  	s9 =	sadd.s32 s9, s5;
	s29 =	sadd.s32 s6, s23;
	[dreg:$0xb] =	wrdreg s0  }
0x10: {  	s10 =	simm.s32 $0x8200;
	s17 =	sadd.s32 $0x3C00, s9;
	[dreg:$0x14] =	wrdreg s29  }
0x11: {  	s28 =	ssub.s32 $0x2, s7;
	s18 =	sadd.s32 $0x4C00, s9;
	[dreg:$0xc] =	wrdreg s17  }
0x12: {  	s15 =	simm.s32 $0x3;
	s19 =	sadd.s32 $0x5C00, s9;
	[dreg:$0xd] =	wrdreg s18  }
0x13: {  	s30 =	sshrl.u32 s28, $0x1;
	s20 =	sadd.s32 $0x6C00, s9;
	[dreg:$0xe] =	wrdreg s19  }
0x14: {  	s25 =	sadd.s32 s23, s5;
	s21 =	sadd.s32 $0x7C00, s9;
	[dreg:$0xf] =	wrdreg s20  }
0x15: {  	s2 =	ssub.s32 s28, s30;
	s22 =	sadd.s32 $0x8C00, s9;
	[dreg:$0x10] =	wrdreg s21  }
0x16: {  	s5 =	sadd.s32 $0x100, s1;
	s24 =	sadd.s32 $0x9C00, s9;
	[dreg:$0x11] =	wrdreg s22  }
0x17: {  	v2 =	vlaneseq.u32;
	s14 =	simm.s32 $0x1;
	s26 =	sadd.s32 $0xAC00, s9;
	[dreg:$0x12] =	wrdreg s24  }
0x18: {  	vm1 =	vmmov $0xffff;
	v0 =	vand.u32 $0x7, v2;
	v1 =	vshrl.u32 v2, $0x3;
	s16 =	simm.s32 $0x2;
	s31 =	sadd.s32 $0x1400, s25;
	[dreg:$0x13] =	wrdreg s26  }
0x19: {  	v2 =	vor.u32 $0x8, v2;
	vm0 =	vmmov @!p0 $0xffff;
	v1 =	vmul.u32 $0x8, v1;
	s6 =	smax.u32 s2, $0x1;
	[dreg:$0x15] =	wrdreg s31;
	s17 =	simm.s32 $0x4  }
.LBB2_1:
0x1a: {  	s18 =	rddreg [dreg:$0x8];
	s19 =	simm.s32 @!p0 $0x0;
	s20 =	simm.s32 @!p0 $0x10200  }
0x1b: {  	[tilespmem:s20], [sflag:$0x7] =	stream.linear.gather @!p0 [hbm4b:s18+s19], $0x8, $0x38;
	[tilespmem:$0x12300] =	vst v63  }
0x1c: {  	s18 =	simm.s32 @!p0 $0x7  }
0x1d: {  	_ =	swait.ge @!p0 [sflag:s18], $0x8  }
0x1e: {  	[sflag:s18] =	ssyncset.done @!p0 $0x0  }
0x1f: {  	s21 =	simm.s32 @!p0 $0x10280;
	s20 =	rddreg [dreg:$0x9];
	[sflag:s18] =	ssyncadd.s32 @!p0 $0xFFFFFFF8  }
0x20: {  	[tilespmem:s21], [sflag:$0x7] =	stream.linear.gather @!p0 [hbm4b:s20+s19], $0x8, $0x38;
	[tilespmem:$0x12300] =	vst v63  }
0x21: {  	_ =	swait.ge @!p0 [sflag:s18], $0x8  }
0x22: {  	[sflag:s18] =	ssyncset.done @!p0 $0x0  }
0x23: {  	[sflag:s18] =	ssyncadd.s32 @!p0 $0xFFFFFFF8  }
0x24: {  	v3 =	vld.msk @!p0 [tilespmem:$0x10200], $0xff;
	_ =	sdelay $0x4  }
0x25: {  	v4 =	vshll.u32 @!p0 v3, $0x2  }
0x26: {  	v5 =	vlaneseq.u32 @!p0;
	v3 =	vand.u32 @!p0 $0x7, v3;
	v4 =	vand.u32 @!p0 $0xFFFFFFE0, v4  }
0x27: {  	v3 =	vor.u32 @!p0 v3, v4;
	v4 =	vand.u32 @!p0 $0x7, v5;
	v5 =	vshrl.u32 @!p0 v5, $0x3  }
0x28: {  	v3 =	vperm.xlane @!p0 v3, v4;
	v5 =	vmul.u32 @!p0 $0x8, v5;
	_ =	sdelay $0x1  }
0x29: {  	v3 =	vadd.s32 @!p0 v5, v3;
	_ =	sdelay $0x3  }
0x2a: {  	s0 =	simm.s32 @!p0 $0x10300  }
0x2b: {  	[tilespmem:s0], [sflag:$0x5] =	stream.indirect_vreg.gather @!p0 [hbm4b:s1+s19], $0x80, v3, vm0, $0xb8;
	[tilespmem:$0x12300] =	vst v63  }
0x2c: {  	s20 =	simm.s32 @!p0 $0x10B00  }
0x2d: {  	[tilespmem:s20], [sflag:$0x5] =	stream.indirect_vreg.gather @!p0 [hbm4b:s5+s19], $0x80, v3, vm0, $0xb8;
	[tilespmem:$0x12300] =	vst v63  }
0x2e: {  	v3 =	vld.msk @!p0 [tilespmem:$0x10280], $0xff;
	_ =	sdelay $0x4  }
0x2f: {  	v6 =	vshll.u32 @!p0 v3, $0x2  }
0x30: {  	v3 =	vand.u32 @!p0 $0x7, v3;
	v6 =	vand.u32 @!p0 $0xFFFFFFE0, v6  }
0x31: {  	v3 =	vor.u32 @!p0 v3, v6  }
0x32: {  	v3 =	vperm.xlane @!p0 v3, v4;
	_ =	sdelay $0x1  }
0x33: {  	v3 =	vadd.s32 @!p0 v5, v3;
	_ =	sdelay $0x3  }
0x34: {  	s21 =	rddreg [dreg:$0x4];
	s0 =	simm.s32 @!p0 $0x11300  }
0x35: {  	[tilespmem:s0], [sflag:$0x6] =	stream.indirect_vreg.gather @!p0 [hbm4b:s21+s19], $0x80, v3, vm0, $0xb8;
	[tilespmem:$0x12300] =	vst v63  }
0x36: {  	s20 =	rddreg [dreg:$0xa];
	s21 =	simm.s32 @!p0 $0x11B00  }
0x37: {  	[tilespmem:s21], [sflag:$0x6] =	stream.indirect_vreg.gather @!p0 [hbm4b:s20+s19], $0x80, v3, vm0, $0xb8;
	[tilespmem:$0x12300] =	vst v63  }
0x38: {  	s2 =	simm.s32 $0x7;
	s22 =	rddreg [dreg:$0xb]  }
0x39: {  	[tilespmem:s4], [sflag:$0x7] =	stream.linear.gather [hbm4b:s22+s4], $0x200, $0x38;
	[tilespmem:$0x12300] =	vst v63  }
0x3a: {  	_ =	swait.ge [sflag:s2], $0x200  }
0x3b: {  	[sflag:s2] =	ssyncset.done $0x0  }
0x3c: {  	[sflag:s2] =	ssyncadd.s32 $0xFFFFFE00  }
0x3d: {  	v3 =	vld [tilespmem:$0x0];
	_ =	sdelay $0x4  }
0x3e: {  	v32 =	vshll.u32 v3, $0x2  }
0x3f: {  	v3 =	vand.u32 $0x7, v3;
	v4 =	vand.u32 $0xFFFFFFE0, v32  }
0x40: {  	v3 =	vor.u32 v3, v4  }
0x41: {  	v4 =	vperm.xlane v3, v0;
	_ =	sdelay $0x1  }
0x42: {  	v4 =	vadd.s32 v1, v4;
	_ =	sdelay $0x1  }
0x43: {  	v3 =	vperm.xlane v3, v2;
	_ =	sdelay $0x1  }
0x44: {  	v3 =	vadd.s32 v1, v3  }
0x45: {  	[tilespmem:s11], [sflag:$0x1] =	stream.indirect_vreg.gather [hbm4b:s1+s4], $0x80, v4, vm1, $0xb8;
	[tilespmem:$0x12300] =	vst v63  }
0x46: {  	s3 =	simm.s32 $0xA00  }
0x47: {  	[tilespmem:s3], [sflag:$0x1] =	stream.indirect_vreg.gather [hbm4b:s5+s4], $0x80, v4, vm1, $0xb8;
	[tilespmem:$0x12300] =	vst v63  }
0x48: {  	s7 =	simm.s32 $0x1200  }
0x49: {  	[tilespmem:s7], [sflag:$0x1] =	stream.indirect_vreg.gather [hbm4b:s1+s4], $0x80, v3, vm1, $0xb8;
	[tilespmem:$0x12300] =	vst v63  }
0x4a: {  	s2 =	simm.s32 $0x1A00  }
0x4b: {  	[tilespmem:s2], [sflag:$0x1] =	stream.indirect_vreg.gather [hbm4b:s5+s4], $0x80, v3, vm1, $0xb8;
	[tilespmem:$0x12300] =	vst v63  }
0x4c: {  	v3 =	vld [tilespmem:$0x10];
	_ =	sdelay $0x4  }
0x4d: {  	v33 =	vshll.u32 v3, $0x2  }
0x4e: {  	v3 =	vand.u32 $0x7, v3;
	v4 =	vand.u32 $0xFFFFFFE0, v33  }
0x4f: {  	v3 =	vor.u32 v3, v4  }
0x50: {  	v4 =	vperm.xlane v3, v0;
	_ =	sdelay $0x1  }
0x51: {  	v4 =	vadd.s32 v1, v4;
	_ =	sdelay $0x1  }
0x52: {  	v3 =	vperm.xlane v3, v2;
	_ =	sdelay $0x1  }
0x53: {  	s8 =	simm.s32 $0x2200;
	v3 =	vadd.s32 v1, v3  }
0x54: {  	[tilespmem:s8], [sflag:$0x1] =	stream.indirect_vreg.gather [hbm4b:s1+s4], $0x80, v4, vm1, $0xb8;
	[tilespmem:$0x12300] =	vst v63  }
0x55: {  	s9 =	simm.s32 $0x2A00  }
0x56: {  	[tilespmem:s9], [sflag:$0x1] =	stream.indirect_vreg.gather [hbm4b:s5+s4], $0x80, v4, vm1, $0xb8;
	[tilespmem:$0x12300] =	vst v63  }
0x57: {  	s12 =	simm.s32 $0x3200  }
0x58: {  	[tilespmem:s12], [sflag:$0x1] =	stream.indirect_vreg.gather [hbm4b:s1+s4], $0x80, v3, vm1, $0xb8;
	[tilespmem:$0x12300] =	vst v63  }
0x59: {  	s13 =	simm.s32 $0x3A00  }
0x5a: {  	[tilespmem:s13], [sflag:$0x1] =	stream.indirect_vreg.gather [hbm4b:s5+s4], $0x80, v3, vm1, $0xb8;
	[tilespmem:$0x12300] =	vst v63  }
0x5b: {  	v3 =	vld [tilespmem:$0x20];
	_ =	sdelay $0x4  }
0x5c: {  	v34 =	vshll.u32 v3, $0x2  }
0x5d: {  	v3 =	vand.u32 $0x7, v3;
	v4 =	vand.u32 $0xFFFFFFE0, v34  }
0x5e: {  	v3 =	vor.u32 v3, v4  }
0x5f: {  	v4 =	vperm.xlane v3, v0;
	_ =	sdelay $0x1  }
0x60: {  	v4 =	vadd.s32 v1, v4;
	_ =	sdelay $0x1  }
0x61: {  	v3 =	vperm.xlane v3, v2;
	_ =	sdelay $0x1  }
0x62: {  	s20 =	simm.s32 $0x4200;
	v3 =	vadd.s32 v1, v3  }
0x63: {  	[tilespmem:s20], [sflag:$0x1] =	stream.indirect_vreg.gather [hbm4b:s1+s4], $0x80, v4, vm1, $0xb8;
	[tilespmem:$0x12300] =	vst v63  }
0x64: {  	s21 =	simm.s32 $0x4A00  }
0x65: {  	[tilespmem:s21], [sflag:$0x1] =	stream.indirect_vreg.gather [hbm4b:s5+s4], $0x80, v4, vm1, $0xb8;
	[tilespmem:$0x12300] =	vst v63  }
0x66: {  	s22 =	simm.s32 $0x5200  }
0x67: {  	[tilespmem:s22], [sflag:$0x1] =	stream.indirect_vreg.gather [hbm4b:s1+s4], $0x80, v3, vm1, $0xb8;
	[tilespmem:$0x12300] =	vst v63  }
0x68: {  	s25 =	simm.s32 $0x5A00  }
0x69: {  	[tilespmem:s25], [sflag:$0x1] =	stream.indirect_vreg.gather [hbm4b:s5+s4], $0x80, v3, vm1, $0xb8;
	[tilespmem:$0x12300] =	vst v63  }
0x6a: {  	v3 =	vld [tilespmem:$0x30];
	_ =	sdelay $0x4  }
0x6b: {  	v35 =	vshll.u32 v3, $0x2  }
0x6c: {  	v3 =	vand.u32 $0x7, v3;
	v4 =	vand.u32 $0xFFFFFFE0, v35  }
0x6d: {  	v3 =	vor.u32 v3, v4  }
0x6e: {  	v4 =	vperm.xlane v3, v0;
	_ =	sdelay $0x1  }
0x6f: {  	v4 =	vadd.s32 v1, v4;
	_ =	sdelay $0x1  }
0x70: {  	v3 =	vperm.xlane v3, v2;
	_ =	sdelay $0x1  }
0x71: {  	s26 =	simm.s32 $0x6200;
	v3 =	vadd.s32 v1, v3  }
0x72: {  	[tilespmem:s26], [sflag:$0x1] =	stream.indirect_vreg.gather [hbm4b:s1+s4], $0x80, v4, vm1, $0xb8;
	[tilespmem:$0x12300] =	vst v63  }
0x73: {  	s28 =	simm.s32 $0x6A00  }
0x74: {  	[tilespmem:s28], [sflag:$0x1] =	stream.indirect_vreg.gather [hbm4b:s5+s4], $0x80, v4, vm1, $0xb8;
	[tilespmem:$0x12300] =	vst v63  }
0x75: {  	s29 =	simm.s32 $0x7200  }
0x76: {  	[tilespmem:s29], [sflag:$0x1] =	stream.indirect_vreg.gather [hbm4b:s1+s4], $0x80, v3, vm1, $0xb8;
	[tilespmem:$0x12300] =	vst v63  }
0x77: {  	s8 =	simm.s32 $0x7A00  }
0x78: {  	[tilespmem:s8], [sflag:$0x1] =	stream.indirect_vreg.gather [hbm4b:s5+s4], $0x80, v3, vm1, $0xb8;
	[tilespmem:$0x12300] =	vst v63  }
0x79: {  	v3 =	vld [tilespmem:$0x40];
	_ =	sdelay $0x4  }
0x7a: {  	v36 =	vshll.u32 v3, $0x2  }
0x7b: {  	v3 =	vand.u32 $0x7, v3;
	v4 =	vand.u32 $0xFFFFFFE0, v36  }
0x7c: {  	v3 =	vor.u32 v3, v4  }
0x7d: {  	v4 =	vperm.xlane v3, v0;
	_ =	sdelay $0x1  }
0x7e: {  	v4 =	vadd.s32 v1, v4;
	_ =	sdelay $0x1  }
0x7f: {  	v3 =	vperm.xlane v3, v2;
	_ =	sdelay $0x1  }
0x80: {  	v3 =	vadd.s32 v1, v3  }
0x81: {  	[tilespmem:s10], [sflag:$0x2] =	stream.indirect_vreg.gather [hbm4b:s1+s4], $0x80, v4, vm1, $0xb8;
	[tilespmem:$0x12300] =	vst v63  }
0x82: {  	s8 =	simm.s32 $0x8A00  }
0x83: {  	[tilespmem:s8], [sflag:$0x2] =	stream.indirect_vreg.gather [hbm4b:s5+s4], $0x80, v4, vm1, $0xb8;
	[tilespmem:$0x12300] =	vst v63  }
0x84: {  	s9 =	simm.s32 $0x9200  }
0x85: {  	[tilespmem:s9], [sflag:$0x2] =	stream.indirect_vreg.gather [hbm4b:s1+s4], $0x80, v3, vm1, $0xb8;
	[tilespmem:$0x12300] =	vst v63  }
0x86: {  	s12 =	simm.s32 $0x9A00  }
0x87: {  	[tilespmem:s12], [sflag:$0x2] =	stream.indirect_vreg.gather [hbm4b:s5+s4], $0x80, v3, vm1, $0xb8;
	[tilespmem:$0x12300] =	vst v63  }
0x88: {  	v3 =	vld [tilespmem:$0x50];
	_ =	sdelay $0x4  }
0x89: {  	v37 =	vshll.u32 v3, $0x2  }
0x8a: {  	v3 =	vand.u32 $0x7, v3;
	v4 =	vand.u32 $0xFFFFFFE0, v37  }
0x8b: {  	v3 =	vor.u32 v3, v4  }
0x8c: {  	v4 =	vperm.xlane v3, v0;
	_ =	sdelay $0x1  }
0x8d: {  	v4 =	vadd.s32 v1, v4;
	_ =	sdelay $0x1  }
0x8e: {  	v3 =	vperm.xlane v3, v2;
	_ =	sdelay $0x1  }
0x8f: {  	s13 =	simm.s32 $0xA200;
	v3 =	vadd.s32 v1, v3  }
0x90: {  	[tilespmem:s13], [sflag:$0x2] =	stream.indirect_vreg.gather [hbm4b:s1+s4], $0x80, v4, vm1, $0xb8;
	[tilespmem:$0x12300] =	vst v63  }
0x91: {  	s21 =	simm.s32 $0xAA00  }
0x92: {  	[tilespmem:s21], [sflag:$0x2] =	stream.indirect_vreg.gather [hbm4b:s5+s4], $0x80, v4, vm1, $0xb8;
	[tilespmem:$0x12300] =	vst v63  }
0x93: {  	s22 =	simm.s32 $0xB200  }
0x94: {  	[tilespmem:s22], [sflag:$0x2] =	stream.indirect_vreg.gather [hbm4b:s1+s4], $0x80, v3, vm1, $0xb8;
	[tilespmem:$0x12300] =	vst v63  }
0x95: {  	s25 =	simm.s32 $0xBA00  }
0x96: {  	[tilespmem:s25], [sflag:$0x2] =	stream.indirect_vreg.gather [hbm4b:s5+s4], $0x80, v3, vm1, $0xb8;
	[tilespmem:$0x12300] =	vst v63  }
0x97: {  	v3 =	vld [tilespmem:$0x60];
	_ =	sdelay $0x4  }
0x98: {  	v38 =	vshll.u32 v3, $0x2  }
0x99: {  	v3 =	vand.u32 $0x7, v3;
	v4 =	vand.u32 $0xFFFFFFE0, v38  }
0x9a: {  	v3 =	vor.u32 v3, v4  }
0x9b: {  	v4 =	vperm.xlane v3, v0;
	_ =	sdelay $0x1  }
0x9c: {  	v4 =	vadd.s32 v1, v4;
	_ =	sdelay $0x1  }
0x9d: {  	v3 =	vperm.xlane v3, v2;
	_ =	sdelay $0x1  }
0x9e: {  	s26 =	simm.s32 $0xC200;
	v3 =	vadd.s32 v1, v3  }
0x9f: {  	[tilespmem:s26], [sflag:$0x2] =	stream.indirect_vreg.gather [hbm4b:s1+s4], $0x80, v4, vm1, $0xb8;
	[tilespmem:$0x12300] =	vst v63  }
0xa0: {  	s28 =	simm.s32 $0xCA00  }
0xa1: {  	[tilespmem:s28], [sflag:$0x2] =	stream.indirect_vreg.gather [hbm4b:s5+s4], $0x80, v4, vm1, $0xb8;
	[tilespmem:$0x12300] =	vst v63  }
0xa2: {  	s2 =	simm.s32 $0xD200  }
0xa3: {  	[tilespmem:s2], [sflag:$0x2] =	stream.indirect_vreg.gather [hbm4b:s1+s4], $0x80, v3, vm1, $0xb8;
	[tilespmem:$0x12300] =	vst v63  }
0xa4: {  	s8 =	simm.s32 $0xDA00  }
0xa5: {  	[tilespmem:s8], [sflag:$0x2] =	stream.indirect_vreg.gather [hbm4b:s5+s4], $0x80, v3, vm1, $0xb8;
	[tilespmem:$0x12300] =	vst v63  }
0xa6: {  	v3 =	vld [tilespmem:$0x70];
	_ =	sdelay $0x4  }
0xa7: {  	v39 =	vshll.u32 v3, $0x2  }
0xa8: {  	v3 =	vand.u32 $0x7, v3;
	v4 =	vand.u32 $0xFFFFFFE0, v39  }
0xa9: {  	v3 =	vor.u32 v3, v4  }
0xaa: {  	v4 =	vperm.xlane v3, v0;
	_ =	sdelay $0x1  }
0xab: {  	v4 =	vadd.s32 v1, v4;
	_ =	sdelay $0x1  }
0xac: {  	v3 =	vperm.xlane v3, v2;
	_ =	sdelay $0x1  }
0xad: {  	s9 =	simm.s32 $0xE200;
	v3 =	vadd.s32 v1, v3  }
0xae: {  	[tilespmem:s9], [sflag:$0x2] =	stream.indirect_vreg.gather [hbm4b:s1+s4], $0x80, v4, vm1, $0xb8;
	[tilespmem:$0x12300] =	vst v63  }
0xaf: {  	s28 =	simm.s32 $0xEA00  }
0xb0: {  	[tilespmem:s28], [sflag:$0x2] =	stream.indirect_vreg.gather [hbm4b:s5+s4], $0x80, v4, vm1, $0xb8;
	[tilespmem:$0x12300] =	vst v63  }
0xb1: {  	s2 =	simm.s32 $0xF200  }
0xb2: {  	[tilespmem:s2], [sflag:$0x2] =	stream.indirect_vreg.gather [hbm4b:s1+s4], $0x80, v3, vm1, $0xb8;
	[tilespmem:$0x12300] =	vst v63  }
0xb3: {  	s8 =	simm.s32 $0xFA00  }
0xb4: {  	[tilespmem:s8], [sflag:$0x2] =	stream.indirect_vreg.gather [hbm4b:s5+s4], $0x80, v3, vm1, $0xb8;
	[tilespmem:$0x12300] =	vst v63  }
0xb5: {  	_ =	swait.ge [sflag:s14], $0x8000  }
0xb6: {  	[sflag:s14] =	ssyncset.done $0x0  }
0xb7: {  	s9 =	rddreg [dreg:$0xc];
	[sflag:s14] =	ssyncadd.s32 $0xFFFF8000  }
0xb8: {  	[hbm4b:s9+s4] =	stream.linear.scatter [tilespmem:s11], [sflag:$0x3], $0x8000, $0x38;
	[tilespmem:$0x12300] =	vst v63  }
0xb9: {  	_ =	swait.ge [sflag:s15], $0x8000  }
0xba: {  	[sflag:s15] =	ssyncset.done $0x0  }
0xbb: {  	[sflag:s15] =	ssyncadd.s32 $0xFFFF8000  }
0xbc: {  	v3 =	vld [tilespmem:$0x80];
	_ =	sdelay $0x4  }
0xbd: {  	v40 =	vshll.u32 v3, $0x2  }
0xbe: {  	v3 =	vand.u32 $0x7, v3;
	v4 =	vand.u32 $0xFFFFFFE0, v40  }
0xbf: {  	v3 =	vor.u32 v3, v4  }
0xc0: {  	v4 =	vperm.xlane v3, v0;
	_ =	sdelay $0x1  }
0xc1: {  	v4 =	vadd.s32 v1, v4;
	_ =	sdelay $0x1  }
0xc2: {  	v3 =	vperm.xlane v3, v2;
	_ =	sdelay $0x1  }
0xc3: {  	v3 =	vadd.s32 v1, v3  }
0xc4: {  	[tilespmem:s11], [sflag:$0x1] =	stream.indirect_vreg.gather [hbm4b:s1+s4], $0x80, v4, vm1, $0xb8;
	[tilespmem:$0x12300] =	vst v63  }
0xc5: {  	s3 =	simm.s32 $0xA00  }
0xc6: {  	[tilespmem:s3], [sflag:$0x1] =	stream.indirect_vreg.gather [hbm4b:s5+s4], $0x80, v4, vm1, $0xb8;
	[tilespmem:$0x12300] =	vst v63  }
0xc7: {  	s7 =	simm.s32 $0x1200  }
0xc8: {  	[tilespmem:s7], [sflag:$0x1] =	stream.indirect_vreg.gather [hbm4b:s1+s4], $0x80, v3, vm1, $0xb8;
	[tilespmem:$0x12300] =	vst v63  }
0xc9: {  	s30 =	simm.s32 $0x1A00  }
0xca: {  	[tilespmem:s30], [sflag:$0x1] =	stream.indirect_vreg.gather [hbm4b:s5+s4], $0x80, v3, vm1, $0xb8;
	[tilespmem:$0x12300] =	vst v63  }
0xcb: {  	v3 =	vld [tilespmem:$0x90];
	_ =	sdelay $0x4  }
0xcc: {  	v41 =	vshll.u32 v3, $0x2  }
0xcd: {  	v3 =	vand.u32 $0x7, v3;
	v4 =	vand.u32 $0xFFFFFFE0, v41  }
0xce: {  	v3 =	vor.u32 v3, v4  }
0xcf: {  	v4 =	vperm.xlane v3, v0;
	_ =	sdelay $0x1  }
0xd0: {  	v4 =	vadd.s32 v1, v4;
	_ =	sdelay $0x1  }
0xd1: {  	v3 =	vperm.xlane v3, v2;
	_ =	sdelay $0x1  }
0xd2: {  	s23 =	simm.s32 $0x2200;
	v3 =	vadd.s32 v1, v3  }
0xd3: {  	[tilespmem:s23], [sflag:$0x1] =	stream.indirect_vreg.gather [hbm4b:s1+s4], $0x80, v4, vm1, $0xb8;
	[tilespmem:$0x12300] =	vst v63  }
0xd4: {  	s24 =	simm.s32 $0x2A00  }
0xd5: {  	[tilespmem:s24], [sflag:$0x1] =	stream.indirect_vreg.gather [hbm4b:s5+s4], $0x80, v4, vm1, $0xb8;
	[tilespmem:$0x12300] =	vst v63  }
0xd6: {  	s30 =	simm.s32 $0x3200  }
0xd7: {  	[tilespmem:s30], [sflag:$0x1] =	stream.indirect_vreg.gather [hbm4b:s1+s4], $0x80, v3, vm1, $0xb8;
	[tilespmem:$0x12300] =	vst v63  }
0xd8: {  	s31 =	simm.s32 $0x3A00  }
0xd9: {  	[tilespmem:s31], [sflag:$0x1] =	stream.indirect_vreg.gather [hbm4b:s5+s4], $0x80, v3, vm1, $0xb8;
	[tilespmem:$0x12300] =	vst v63  }
0xda: {  	v3 =	vld [tilespmem:$0xA0];
	_ =	sdelay $0x4  }
0xdb: {  	v42 =	vshll.u32 v3, $0x2  }
0xdc: {  	v3 =	vand.u32 $0x7, v3;
	v4 =	vand.u32 $0xFFFFFFE0, v42  }
0xdd: {  	v3 =	vor.u32 v3, v4  }
0xde: {  	v4 =	vperm.xlane v3, v0;
	_ =	sdelay $0x1  }
0xdf: {  	v4 =	vadd.s32 v1, v4;
	_ =	sdelay $0x1  }
0xe0: {  	v3 =	vperm.xlane v3, v2;
	_ =	sdelay $0x1  }
0xe1: {  	s31 =	simm.s32 $0x4200;
	v3 =	vadd.s32 v1, v3  }
0xe2: {  	[tilespmem:s31], [sflag:$0x1] =	stream.indirect_vreg.gather [hbm4b:s1+s4], $0x80, v4, vm1, $0xb8;
	[tilespmem:$0x12300] =	vst v63  }
0xe3: {  	s0 =	simm.s32 $0x4A00  }
0xe4: {  	[tilespmem:s0], [sflag:$0x1] =	stream.indirect_vreg.gather [hbm4b:s5+s4], $0x80, v4, vm1, $0xb8;
	[tilespmem:$0x12300] =	vst v63  }
0xe5: {  	s0 =	simm.s32 $0x5200  }
0xe6: {  	[tilespmem:s0], [sflag:$0x1] =	stream.indirect_vreg.gather [hbm4b:s1+s4], $0x80, v3, vm1, $0xb8;
	[tilespmem:$0x12300] =	vst v63  }
0xe7: {  	s8 =	simm.s32 $0x5A00  }
0xe8: {  	[tilespmem:s8], [sflag:$0x1] =	stream.indirect_vreg.gather [hbm4b:s5+s4], $0x80, v3, vm1, $0xb8;
	[tilespmem:$0x12300] =	vst v63  }
0xe9: {  	v3 =	vld [tilespmem:$0xB0];
	_ =	sdelay $0x4  }
0xea: {  	v43 =	vshll.u32 v3, $0x2  }
0xeb: {  	v3 =	vand.u32 $0x7, v3;
	v4 =	vand.u32 $0xFFFFFFE0, v43  }
0xec: {  	v3 =	vor.u32 v3, v4  }
0xed: {  	v4 =	vperm.xlane v3, v0;
	_ =	sdelay $0x1  }
0xee: {  	v4 =	vadd.s32 v1, v4;
	_ =	sdelay $0x1  }
0xef: {  	v3 =	vperm.xlane v3, v2;
	_ =	sdelay $0x1  }
0xf0: {  	s2 =	simm.s32 $0x6200;
	v3 =	vadd.s32 v1, v3  }
0xf1: {  	[tilespmem:s2], [sflag:$0x1] =	stream.indirect_vreg.gather [hbm4b:s1+s4], $0x80, v4, vm1, $0xb8;
	[tilespmem:$0x12300] =	vst v63  }
0xf2: {  	s3 =	simm.s32 $0x6A00  }
0xf3: {  	[tilespmem:s3], [sflag:$0x1] =	stream.indirect_vreg.gather [hbm4b:s5+s4], $0x80, v4, vm1, $0xb8;
	[tilespmem:$0x12300] =	vst v63  }
0xf4: {  	s7 =	simm.s32 $0x7200  }
0xf5: {  	[tilespmem:s7], [sflag:$0x1] =	stream.indirect_vreg.gather [hbm4b:s1+s4], $0x80, v3, vm1, $0xb8;
	[tilespmem:$0x12300] =	vst v63  }
0xf6: {  	s9 =	simm.s32 $0x7A00  }
0xf7: {  	[tilespmem:s9], [sflag:$0x1] =	stream.indirect_vreg.gather [hbm4b:s5+s4], $0x80, v3, vm1, $0xb8;
	[tilespmem:$0x12300] =	vst v63  }
0xf8: {  	_ =	swait.ge [sflag:s16], $0x8000  }
0xf9: {  	[sflag:s16] =	ssyncset.done $0x0  }
0xfa: {  	s24 =	rddreg [dreg:$0xd];
	[sflag:s16] =	ssyncadd.s32 $0xFFFF8000  }
0xfb: {  	[hbm4b:s24+s4] =	stream.linear.scatter [tilespmem:s10], [sflag:$0x4], $0x8000, $0x38;
	[tilespmem:$0x12300] =	vst v63  }
0xfc: {  	_ =	swait.ge [sflag:s17], $0x8000  }
0xfd: {  	[sflag:s17] =	ssyncset.done $0x0  }
0xfe: {  	[sflag:s17] =	ssyncadd.s32 $0xFFFF8000  }
0xff: {  	v3 =	vld [tilespmem:$0xC0];
	_ =	sdelay $0x4  }
0x100: {  	v44 =	vshll.u32 v3, $0x2  }
0x101: {  	v3 =	vand.u32 $0x7, v3;
	v4 =	vand.u32 $0xFFFFFFE0, v44  }
0x102: {  	v3 =	vor.u32 v3, v4  }
0x103: {  	v4 =	vperm.xlane v3, v0;
	_ =	sdelay $0x1  }
0x104: {  	v4 =	vadd.s32 v1, v4;
	_ =	sdelay $0x1  }
0x105: {  	v3 =	vperm.xlane v3, v2;
	_ =	sdelay $0x1  }
0x106: {  	v3 =	vadd.s32 v1, v3  }
0x107: {  	[tilespmem:s10], [sflag:$0x2] =	stream.indirect_vreg.gather [hbm4b:s1+s4], $0x80, v4, vm1, $0xb8;
	[tilespmem:$0x12300] =	vst v63  }
0x108: {  	s24 =	simm.s32 $0x8A00  }
0x109: {  	[tilespmem:s24], [sflag:$0x2] =	stream.indirect_vreg.gather [hbm4b:s5+s4], $0x80, v4, vm1, $0xb8;
	[tilespmem:$0x12300] =	vst v63  }
0x10a: {  	s23 =	simm.s32 $0x9200  }
0x10b: {  	[tilespmem:s23], [sflag:$0x2] =	stream.indirect_vreg.gather [hbm4b:s1+s4], $0x80, v3, vm1, $0xb8;
	[tilespmem:$0x12300] =	vst v63  }
0x10c: {  	s29 =	simm.s32 $0x9A00  }
0x10d: {  	[tilespmem:s29], [sflag:$0x2] =	stream.indirect_vreg.gather [hbm4b:s5+s4], $0x80, v3, vm1, $0xb8;
	[tilespmem:$0x12300] =	vst v63  }
0x10e: {  	v3 =	vld [tilespmem:$0xD0];
	_ =	sdelay $0x4  }
0x10f: {  	v45 =	vshll.u32 v3, $0x2  }
0x110: {  	v3 =	vand.u32 $0x7, v3;
	v4 =	vand.u32 $0xFFFFFFE0, v45  }
0x111: {  	v3 =	vor.u32 v3, v4  }
0x112: {  	v4 =	vperm.xlane v3, v0;
	_ =	sdelay $0x1  }
0x113: {  	v4 =	vadd.s32 v1, v4;
	_ =	sdelay $0x1  }
0x114: {  	v3 =	vperm.xlane v3, v2;
	_ =	sdelay $0x1  }
0x115: {  	s12 =	simm.s32 $0xA200;
	v3 =	vadd.s32 v1, v3  }
0x116: {  	[tilespmem:s12], [sflag:$0x2] =	stream.indirect_vreg.gather [hbm4b:s1+s4], $0x80, v4, vm1, $0xb8;
	[tilespmem:$0x12300] =	vst v63  }
0x117: {  	s13 =	simm.s32 $0xAA00  }
0x118: {  	[tilespmem:s13], [sflag:$0x2] =	stream.indirect_vreg.gather [hbm4b:s5+s4], $0x80, v4, vm1, $0xb8;
	[tilespmem:$0x12300] =	vst v63  }
0x119: {  	s21 =	simm.s32 $0xB200  }
0x11a: {  	[tilespmem:s21], [sflag:$0x2] =	stream.indirect_vreg.gather [hbm4b:s1+s4], $0x80, v3, vm1, $0xb8;
	[tilespmem:$0x12300] =	vst v63  }
0x11b: {  	s25 =	simm.s32 $0xBA00  }
0x11c: {  	[tilespmem:s25], [sflag:$0x2] =	stream.indirect_vreg.gather [hbm4b:s5+s4], $0x80, v3, vm1, $0xb8;
	[tilespmem:$0x12300] =	vst v63  }
0x11d: {  	v3 =	vld [tilespmem:$0xE0];
	_ =	sdelay $0x4  }
0x11e: {  	v46 =	vshll.u32 v3, $0x2  }
0x11f: {  	v3 =	vand.u32 $0x7, v3;
	v4 =	vand.u32 $0xFFFFFFE0, v46  }
0x120: {  	v3 =	vor.u32 v3, v4  }
0x121: {  	v4 =	vperm.xlane v3, v0;
	_ =	sdelay $0x1  }
0x122: {  	v4 =	vadd.s32 v1, v4;
	_ =	sdelay $0x1  }
0x123: {  	v3 =	vperm.xlane v3, v2;
	_ =	sdelay $0x1  }
0x124: {  	s22 =	simm.s32 $0xC200;
	v3 =	vadd.s32 v1, v3  }
0x125: {  	[tilespmem:s22], [sflag:$0x2] =	stream.indirect_vreg.gather [hbm4b:s1+s4], $0x80, v4, vm1, $0xb8;
	[tilespmem:$0x12300] =	vst v63  }
0x126: {  	s25 =	simm.s32 $0xCA00  }
0x127: {  	[tilespmem:s25], [sflag:$0x2] =	stream.indirect_vreg.gather [hbm4b:s5+s4], $0x80, v4, vm1, $0xb8;
	[tilespmem:$0x12300] =	vst v63  }
0x128: {  	s29 =	simm.s32 $0xD200  }
0x129: {  	[tilespmem:s29], [sflag:$0x2] =	stream.indirect_vreg.gather [hbm4b:s1+s4], $0x80, v3, vm1, $0xb8;
	[tilespmem:$0x12300] =	vst v63  }
0x12a: {  	s26 =	simm.s32 $0xDA00  }
0x12b: {  	[tilespmem:s26], [sflag:$0x2] =	stream.indirect_vreg.gather [hbm4b:s5+s4], $0x80, v3, vm1, $0xb8;
	[tilespmem:$0x12300] =	vst v63  }
0x12c: {  	v3 =	vld [tilespmem:$0xF0];
	_ =	sdelay $0x4  }
0x12d: {  	v47 =	vshll.u32 v3, $0x2  }
0x12e: {  	v3 =	vand.u32 $0x7, v3;
	v4 =	vand.u32 $0xFFFFFFE0, v47  }
0x12f: {  	v3 =	vor.u32 v3, v4  }
0x130: {  	v4 =	vperm.xlane v3, v0;
	_ =	sdelay $0x1  }
0x131: {  	v4 =	vadd.s32 v1, v4;
	_ =	sdelay $0x1  }
0x132: {  	v3 =	vperm.xlane v3, v2;
	_ =	sdelay $0x1  }
0x133: {  	s26 =	simm.s32 $0xE200;
	v3 =	vadd.s32 v1, v3  }
0x134: {  	[tilespmem:s26], [sflag:$0x2] =	stream.indirect_vreg.gather [hbm4b:s1+s4], $0x80, v4, vm1, $0xb8;
	[tilespmem:$0x12300] =	vst v63  }
0x135: {  	s29 =	simm.s32 $0xEA00  }
0x136: {  	[tilespmem:s29], [sflag:$0x2] =	stream.indirect_vreg.gather [hbm4b:s5+s4], $0x80, v4, vm1, $0xb8;
	[tilespmem:$0x12300] =	vst v63  }
0x137: {  	s29 =	simm.s32 $0xF200  }
0x138: {  	[tilespmem:s29], [sflag:$0x2] =	stream.indirect_vreg.gather [hbm4b:s1+s4], $0x80, v3, vm1, $0xb8;
	[tilespmem:$0x12300] =	vst v63  }
0x139: {  	s28 =	simm.s32 $0xFA00  }
0x13a: {  	[tilespmem:s28], [sflag:$0x2] =	stream.indirect_vreg.gather [hbm4b:s5+s4], $0x80, v3, vm1, $0xb8;
	[tilespmem:$0x12300] =	vst v63  }
0x13b: {  	_ =	swait.ge [sflag:s14], $0x8000  }
0x13c: {  	[sflag:s14] =	ssyncset.done $0x0  }
0x13d: {  	s28 =	rddreg [dreg:$0xe];
	[sflag:s14] =	ssyncadd.s32 $0xFFFF8000  }
0x13e: {  	[hbm4b:s28+s4] =	stream.linear.scatter [tilespmem:s11], [sflag:$0x3], $0x8000, $0x38;
	[tilespmem:$0x12300] =	vst v63  }
0x13f: {  	_ =	swait.ge [sflag:s15], $0x8000  }
0x140: {  	[sflag:s15] =	ssyncset.done $0x0  }
0x141: {  	[sflag:s15] =	ssyncadd.s32 $0xFFFF8000  }
0x142: {  	v3 =	vld [tilespmem:$0x100];
	_ =	sdelay $0x4  }
0x143: {  	v48 =	vshll.u32 v3, $0x2  }
0x144: {  	v3 =	vand.u32 $0x7, v3;
	v4 =	vand.u32 $0xFFFFFFE0, v48  }
0x145: {  	v3 =	vor.u32 v3, v4  }
0x146: {  	v4 =	vperm.xlane v3, v0;
	_ =	sdelay $0x1  }
0x147: {  	v4 =	vadd.s32 v1, v4;
	_ =	sdelay $0x1  }
0x148: {  	v3 =	vperm.xlane v3, v2;
	_ =	sdelay $0x1  }
0x149: {  	v3 =	vadd.s32 v1, v3  }
0x14a: {  	[tilespmem:s11], [sflag:$0x1] =	stream.indirect_vreg.gather [hbm4b:s1+s4], $0x80, v4, vm1, $0xb8;
	[tilespmem:$0x12300] =	vst v63  }
0x14b: {  	s29 =	simm.s32 $0xA00  }
0x14c: {  	[tilespmem:s29], [sflag:$0x1] =	stream.indirect_vreg.gather [hbm4b:s5+s4], $0x80, v4, vm1, $0xb8;
	[tilespmem:$0x12300] =	vst v63  }
0x14d: {  	s28 =	simm.s32 $0x1200  }
0x14e: {  	[tilespmem:s28], [sflag:$0x1] =	stream.indirect_vreg.gather [hbm4b:s1+s4], $0x80, v3, vm1, $0xb8;
	[tilespmem:$0x12300] =	vst v63  }
0x14f: {  	s29 =	simm.s32 $0x1A00  }
0x150: {  	[tilespmem:s29], [sflag:$0x1] =	stream.indirect_vreg.gather [hbm4b:s5+s4], $0x80, v3, vm1, $0xb8;
	[tilespmem:$0x12300] =	vst v63  }
0x151: {  	v3 =	vld [tilespmem:$0x110];
	_ =	sdelay $0x4  }
0x152: {  	v49 =	vshll.u32 v3, $0x2  }
0x153: {  	v3 =	vand.u32 $0x7, v3;
	v4 =	vand.u32 $0xFFFFFFE0, v49  }
0x154: {  	v3 =	vor.u32 v3, v4  }
0x155: {  	v4 =	vperm.xlane v3, v0;
	_ =	sdelay $0x1  }
0x156: {  	v4 =	vadd.s32 v1, v4;
	_ =	sdelay $0x1  }
0x157: {  	v3 =	vperm.xlane v3, v2;
	_ =	sdelay $0x1  }
0x158: {  	s28 =	simm.s32 $0x2200;
	v3 =	vadd.s32 v1, v3  }
0x159: {  	[tilespmem:s28], [sflag:$0x1] =	stream.indirect_vreg.gather [hbm4b:s1+s4], $0x80, v4, vm1, $0xb8;
	[tilespmem:$0x12300] =	vst v63  }
0x15a: {  	s29 =	simm.s32 $0x2A00  }
0x15b: {  	[tilespmem:s29], [sflag:$0x1] =	stream.indirect_vreg.gather [hbm4b:s5+s4], $0x80, v4, vm1, $0xb8;
	[tilespmem:$0x12300] =	vst v63  }
0x15c: {  	_ = 	snop  }
0x15d: {  	[tilespmem:s30], [sflag:$0x1] =	stream.indirect_vreg.gather [hbm4b:s1+s4], $0x80, v3, vm1, $0xb8;
	[tilespmem:$0x12300] =	vst v63  }
0x15e: {  	s30 =	simm.s32 $0x3A00  }
0x15f: {  	[tilespmem:s30], [sflag:$0x1] =	stream.indirect_vreg.gather [hbm4b:s5+s4], $0x80, v3, vm1, $0xb8;
	[tilespmem:$0x12300] =	vst v63  }
0x160: {  	v3 =	vld [tilespmem:$0x120];
	_ =	sdelay $0x4  }
0x161: {  	v50 =	vshll.u32 v3, $0x2  }
0x162: {  	v3 =	vand.u32 $0x7, v3;
	v4 =	vand.u32 $0xFFFFFFE0, v50  }
0x163: {  	v3 =	vor.u32 v3, v4  }
0x164: {  	v4 =	vperm.xlane v3, v0;
	_ =	sdelay $0x1  }
0x165: {  	v4 =	vadd.s32 v1, v4;
	_ =	sdelay $0x1  }
0x166: {  	v3 =	vperm.xlane v3, v2;
	_ =	sdelay $0x1  }
0x167: {  	v3 =	vadd.s32 v1, v3  }
0x168: {  	[tilespmem:s31], [sflag:$0x1] =	stream.indirect_vreg.gather [hbm4b:s1+s4], $0x80, v4, vm1, $0xb8;
	[tilespmem:$0x12300] =	vst v63  }
0x169: {  	s31 =	simm.s32 $0x4A00  }
0x16a: {  	[tilespmem:s31], [sflag:$0x1] =	stream.indirect_vreg.gather [hbm4b:s5+s4], $0x80, v4, vm1, $0xb8;
	[tilespmem:$0x12300] =	vst v63  }
0x16b: {  	_ = 	snop  }
0x16c: {  	[tilespmem:s0], [sflag:$0x1] =	stream.indirect_vreg.gather [hbm4b:s1+s4], $0x80, v3, vm1, $0xb8;
	[tilespmem:$0x12300] =	vst v63  }
0x16d: {  	_ = 	snop  }
0x16e: {  	[tilespmem:s8], [sflag:$0x1] =	stream.indirect_vreg.gather [hbm4b:s5+s4], $0x80, v3, vm1, $0xb8;
	[tilespmem:$0x12300] =	vst v63  }
0x16f: {  	v3 =	vld [tilespmem:$0x130];
	_ =	sdelay $0x4  }
0x170: {  	v51 =	vshll.u32 v3, $0x2  }
0x171: {  	v3 =	vand.u32 $0x7, v3;
	v4 =	vand.u32 $0xFFFFFFE0, v51  }
0x172: {  	v3 =	vor.u32 v3, v4  }
0x173: {  	v4 =	vperm.xlane v3, v0;
	_ =	sdelay $0x1  }
0x174: {  	v4 =	vadd.s32 v1, v4;
	_ =	sdelay $0x1  }
0x175: {  	v3 =	vperm.xlane v3, v2;
	_ =	sdelay $0x1  }
0x176: {  	v3 =	vadd.s32 v1, v3  }
0x177: {  	[tilespmem:s2], [sflag:$0x1] =	stream.indirect_vreg.gather [hbm4b:s1+s4], $0x80, v4, vm1, $0xb8;
	[tilespmem:$0x12300] =	vst v63  }
0x178: {  	_ = 	snop  }
0x179: {  	[tilespmem:s3], [sflag:$0x1] =	stream.indirect_vreg.gather [hbm4b:s5+s4], $0x80, v4, vm1, $0xb8;
	[tilespmem:$0x12300] =	vst v63  }
0x17a: {  	_ = 	snop  }
0x17b: {  	[tilespmem:s7], [sflag:$0x1] =	stream.indirect_vreg.gather [hbm4b:s1+s4], $0x80, v3, vm1, $0xb8;
	[tilespmem:$0x12300] =	vst v63  }
0x17c: {  	_ = 	snop  }
0x17d: {  	[tilespmem:s9], [sflag:$0x1] =	stream.indirect_vreg.gather [hbm4b:s5+s4], $0x80, v3, vm1, $0xb8;
	[tilespmem:$0x12300] =	vst v63  }
0x17e: {  	_ =	swait.ge [sflag:s16], $0x8000  }
0x17f: {  	[sflag:s16] =	ssyncset.done $0x0  }
0x180: {  	s7 =	rddreg [dreg:$0xf];
	[sflag:s16] =	ssyncadd.s32 $0xFFFF8000  }
0x181: {  	[hbm4b:s7+s4] =	stream.linear.scatter [tilespmem:s10], [sflag:$0x4], $0x8000, $0x38;
	[tilespmem:$0x12300] =	vst v63  }
0x182: {  	_ =	swait.ge [sflag:s17], $0x8000  }
0x183: {  	[sflag:s17] =	ssyncset.done $0x0  }
0x184: {  	[sflag:s17] =	ssyncadd.s32 $0xFFFF8000  }
0x185: {  	v3 =	vld [tilespmem:$0x140];
	_ =	sdelay $0x4  }
0x186: {  	v52 =	vshll.u32 v3, $0x2  }
0x187: {  	v3 =	vand.u32 $0x7, v3;
	v4 =	vand.u32 $0xFFFFFFE0, v52  }
0x188: {  	v3 =	vor.u32 v3, v4  }
0x189: {  	v4 =	vperm.xlane v3, v0;
	_ =	sdelay $0x1  }
0x18a: {  	v4 =	vadd.s32 v1, v4;
	_ =	sdelay $0x1  }
0x18b: {  	v3 =	vperm.xlane v3, v2;
	_ =	sdelay $0x1  }
0x18c: {  	v3 =	vadd.s32 v1, v3  }
0x18d: {  	[tilespmem:s10], [sflag:$0x2] =	stream.indirect_vreg.gather [hbm4b:s1+s4], $0x80, v4, vm1, $0xb8;
	[tilespmem:$0x12300] =	vst v63  }
0x18e: {  	_ = 	snop  }
0x18f: {  	[tilespmem:s24], [sflag:$0x2] =	stream.indirect_vreg.gather [hbm4b:s5+s4], $0x80, v4, vm1, $0xb8;
	[tilespmem:$0x12300] =	vst v63  }
0x190: {  	_ = 	snop  }
0x191: {  	[tilespmem:s23], [sflag:$0x2] =	stream.indirect_vreg.gather [hbm4b:s1+s4], $0x80, v3, vm1, $0xb8;
	[tilespmem:$0x12300] =	vst v63  }
0x192: {  	s24 =	simm.s32 $0x9A00  }
0x193: {  	[tilespmem:s24], [sflag:$0x2] =	stream.indirect_vreg.gather [hbm4b:s5+s4], $0x80, v3, vm1, $0xb8;
	[tilespmem:$0x12300] =	vst v63  }
0x194: {  	v3 =	vld [tilespmem:$0x150];
	_ =	sdelay $0x4  }
0x195: {  	v53 =	vshll.u32 v3, $0x2  }
0x196: {  	v3 =	vand.u32 $0x7, v3;
	v4 =	vand.u32 $0xFFFFFFE0, v53  }
0x197: {  	v3 =	vor.u32 v3, v4  }
0x198: {  	v4 =	vperm.xlane v3, v0;
	_ =	sdelay $0x1  }
0x199: {  	v4 =	vadd.s32 v1, v4;
	_ =	sdelay $0x1  }
0x19a: {  	v3 =	vperm.xlane v3, v2;
	_ =	sdelay $0x1  }
0x19b: {  	s12 =	simm.s32 $0xA200;
	v3 =	vadd.s32 v1, v3  }
0x19c: {  	[tilespmem:s12], [sflag:$0x2] =	stream.indirect_vreg.gather [hbm4b:s1+s4], $0x80, v4, vm1, $0xb8;
	[tilespmem:$0x12300] =	vst v63  }
0x19d: {  	s13 =	simm.s32 $0xAA00  }
0x19e: {  	[tilespmem:s13], [sflag:$0x2] =	stream.indirect_vreg.gather [hbm4b:s5+s4], $0x80, v4, vm1, $0xb8;
	[tilespmem:$0x12300] =	vst v63  }
0x19f: {  	s21 =	simm.s32 $0xB200  }
0x1a0: {  	[tilespmem:s21], [sflag:$0x2] =	stream.indirect_vreg.gather [hbm4b:s1+s4], $0x80, v3, vm1, $0xb8;
	[tilespmem:$0x12300] =	vst v63  }
0x1a1: {  	s21 =	simm.s32 $0xBA00  }
0x1a2: {  	[tilespmem:s21], [sflag:$0x2] =	stream.indirect_vreg.gather [hbm4b:s5+s4], $0x80, v3, vm1, $0xb8;
	[tilespmem:$0x12300] =	vst v63  }
0x1a3: {  	v3 =	vld [tilespmem:$0x160];
	_ =	sdelay $0x4  }
0x1a4: {  	v54 =	vshll.u32 v3, $0x2  }
0x1a5: {  	v3 =	vand.u32 $0x7, v3;
	v4 =	vand.u32 $0xFFFFFFE0, v54  }
0x1a6: {  	v3 =	vor.u32 v3, v4  }
0x1a7: {  	v4 =	vperm.xlane v3, v0;
	_ =	sdelay $0x1  }
0x1a8: {  	v4 =	vadd.s32 v1, v4;
	_ =	sdelay $0x1  }
0x1a9: {  	v3 =	vperm.xlane v3, v2;
	_ =	sdelay $0x1  }
0x1aa: {  	s22 =	simm.s32 $0xC200;
	v3 =	vadd.s32 v1, v3  }
0x1ab: {  	[tilespmem:s22], [sflag:$0x2] =	stream.indirect_vreg.gather [hbm4b:s1+s4], $0x80, v4, vm1, $0xb8;
	[tilespmem:$0x12300] =	vst v63  }
0x1ac: {  	s25 =	simm.s32 $0xCA00  }
0x1ad: {  	[tilespmem:s25], [sflag:$0x2] =	stream.indirect_vreg.gather [hbm4b:s5+s4], $0x80, v4, vm1, $0xb8;
	[tilespmem:$0x12300] =	vst v63  }
0x1ae: {  	s25 =	simm.s32 $0xD200  }
0x1af: {  	[tilespmem:s25], [sflag:$0x2] =	stream.indirect_vreg.gather [hbm4b:s1+s4], $0x80, v3, vm1, $0xb8;
	[tilespmem:$0x12300] =	vst v63  }
0x1b0: {  	s20 =	simm.s32 $0xDA00  }
0x1b1: {  	[tilespmem:s20], [sflag:$0x2] =	stream.indirect_vreg.gather [hbm4b:s5+s4], $0x80, v3, vm1, $0xb8;
	[tilespmem:$0x12300] =	vst v63  }
0x1b2: {  	v3 =	vld [tilespmem:$0x170];
	_ =	sdelay $0x4  }
0x1b3: {  	v55 =	vshll.u32 v3, $0x2  }
0x1b4: {  	v3 =	vand.u32 $0x7, v3;
	v4 =	vand.u32 $0xFFFFFFE0, v55  }
0x1b5: {  	v3 =	vor.u32 v3, v4  }
0x1b6: {  	v4 =	vperm.xlane v3, v0;
	_ =	sdelay $0x1  }
0x1b7: {  	v4 =	vadd.s32 v1, v4;
	_ =	sdelay $0x1  }
0x1b8: {  	v3 =	vperm.xlane v3, v2;
	_ =	sdelay $0x1  }
0x1b9: {  	s26 =	simm.s32 $0xE200;
	v3 =	vadd.s32 v1, v3  }
0x1ba: {  	[tilespmem:s26], [sflag:$0x2] =	stream.indirect_vreg.gather [hbm4b:s1+s4], $0x80, v4, vm1, $0xb8;
	[tilespmem:$0x12300] =	vst v63  }
0x1bb: {  	s20 =	simm.s32 $0xEA00  }
0x1bc: {  	[tilespmem:s20], [sflag:$0x2] =	stream.indirect_vreg.gather [hbm4b:s5+s4], $0x80, v4, vm1, $0xb8;
	[tilespmem:$0x12300] =	vst v63  }
0x1bd: {  	s20 =	simm.s32 $0xF200  }
0x1be: {  	[tilespmem:s20], [sflag:$0x2] =	stream.indirect_vreg.gather [hbm4b:s1+s4], $0x80, v3, vm1, $0xb8;
	[tilespmem:$0x12300] =	vst v63  }
0x1bf: {  	s20 =	simm.s32 $0xFA00  }
0x1c0: {  	[tilespmem:s20], [sflag:$0x2] =	stream.indirect_vreg.gather [hbm4b:s5+s4], $0x80, v3, vm1, $0xb8;
	[tilespmem:$0x12300] =	vst v63  }
0x1c1: {  	_ =	swait.ge [sflag:s14], $0x8000  }
0x1c2: {  	[sflag:s14] =	ssyncset.done $0x0  }
0x1c3: {  	s20 =	rddreg [dreg:$0x10];
	[sflag:s14] =	ssyncadd.s32 $0xFFFF8000  }
0x1c4: {  	[hbm4b:s20+s4] =	stream.linear.scatter [tilespmem:s11], [sflag:$0x3], $0x8000, $0x38;
	[tilespmem:$0x12300] =	vst v63  }
0x1c5: {  	_ =	swait.ge [sflag:s15], $0x8000  }
0x1c6: {  	[sflag:s15] =	ssyncset.done $0x0  }
0x1c7: {  	[sflag:s15] =	ssyncadd.s32 $0xFFFF8000  }
0x1c8: {  	v3 =	vld [tilespmem:$0x180];
	_ =	sdelay $0x4  }
0x1c9: {  	v56 =	vshll.u32 v3, $0x2  }
0x1ca: {  	v3 =	vand.u32 $0x7, v3;
	v4 =	vand.u32 $0xFFFFFFE0, v56  }
0x1cb: {  	v3 =	vor.u32 v3, v4  }
0x1cc: {  	v4 =	vperm.xlane v3, v0;
	_ =	sdelay $0x1  }
0x1cd: {  	v4 =	vadd.s32 v1, v4;
	_ =	sdelay $0x1  }
0x1ce: {  	v3 =	vperm.xlane v3, v2;
	_ =	sdelay $0x1  }
0x1cf: {  	v3 =	vadd.s32 v1, v3  }
0x1d0: {  	[tilespmem:s11], [sflag:$0x1] =	stream.indirect_vreg.gather [hbm4b:s1+s4], $0x80, v4, vm1, $0xb8;
	[tilespmem:$0x12300] =	vst v63  }
0x1d1: {  	s20 =	simm.s32 $0xA00  }
0x1d2: {  	[tilespmem:s20], [sflag:$0x1] =	stream.indirect_vreg.gather [hbm4b:s5+s4], $0x80, v4, vm1, $0xb8;
	[tilespmem:$0x12300] =	vst v63  }
0x1d3: {  	s20 =	simm.s32 $0x1200  }
0x1d4: {  	[tilespmem:s20], [sflag:$0x1] =	stream.indirect_vreg.gather [hbm4b:s1+s4], $0x80, v3, vm1, $0xb8;
	[tilespmem:$0x12300] =	vst v63  }
0x1d5: {  	s20 =	simm.s32 $0x1A00  }
0x1d6: {  	[tilespmem:s20], [sflag:$0x1] =	stream.indirect_vreg.gather [hbm4b:s5+s4], $0x80, v3, vm1, $0xb8;
	[tilespmem:$0x12300] =	vst v63  }
0x1d7: {  	v3 =	vld [tilespmem:$0x190];
	_ =	sdelay $0x4  }
0x1d8: {  	v57 =	vshll.u32 v3, $0x2  }
0x1d9: {  	v3 =	vand.u32 $0x7, v3;
	v4 =	vand.u32 $0xFFFFFFE0, v57  }
0x1da: {  	v3 =	vor.u32 v3, v4  }
0x1db: {  	v4 =	vperm.xlane v3, v0;
	_ =	sdelay $0x1  }
0x1dc: {  	v4 =	vadd.s32 v1, v4;
	_ =	sdelay $0x1  }
0x1dd: {  	v3 =	vperm.xlane v3, v2;
	_ =	sdelay $0x1  }
0x1de: {  	s20 =	simm.s32 $0x2200;
	v3 =	vadd.s32 v1, v3  }
0x1df: {  	[tilespmem:s20], [sflag:$0x1] =	stream.indirect_vreg.gather [hbm4b:s1+s4], $0x80, v4, vm1, $0xb8;
	[tilespmem:$0x12300] =	vst v63  }
0x1e0: {  	s20 =	simm.s32 $0x2A00  }
0x1e1: {  	[tilespmem:s20], [sflag:$0x1] =	stream.indirect_vreg.gather [hbm4b:s5+s4], $0x80, v4, vm1, $0xb8;
	[tilespmem:$0x12300] =	vst v63  }
0x1e2: {  	s28 =	simm.s32 $0x3200  }
0x1e3: {  	[tilespmem:s28], [sflag:$0x1] =	stream.indirect_vreg.gather [hbm4b:s1+s4], $0x80, v3, vm1, $0xb8;
	[tilespmem:$0x12300] =	vst v63  }
0x1e4: {  	s28 =	simm.s32 $0x3A00  }
0x1e5: {  	[tilespmem:s28], [sflag:$0x1] =	stream.indirect_vreg.gather [hbm4b:s5+s4], $0x80, v3, vm1, $0xb8;
	[tilespmem:$0x12300] =	vst v63  }
0x1e6: {  	v3 =	vld [tilespmem:$0x1A0];
	_ =	sdelay $0x4  }
0x1e7: {  	v58 =	vshll.u32 v3, $0x2  }
0x1e8: {  	v3 =	vand.u32 $0x7, v3;
	v4 =	vand.u32 $0xFFFFFFE0, v58  }
0x1e9: {  	v3 =	vor.u32 v3, v4  }
0x1ea: {  	v4 =	vperm.xlane v3, v0;
	_ =	sdelay $0x1  }
0x1eb: {  	v4 =	vadd.s32 v1, v4;
	_ =	sdelay $0x1  }
0x1ec: {  	v3 =	vperm.xlane v3, v2;
	_ =	sdelay $0x1  }
0x1ed: {  	s29 =	simm.s32 $0x4200;
	v3 =	vadd.s32 v1, v3  }
0x1ee: {  	[tilespmem:s29], [sflag:$0x1] =	stream.indirect_vreg.gather [hbm4b:s1+s4], $0x80, v4, vm1, $0xb8;
	[tilespmem:$0x12300] =	vst v63  }
0x1ef: {  	s31 =	simm.s32 $0x4A00  }
0x1f0: {  	[tilespmem:s31], [sflag:$0x1] =	stream.indirect_vreg.gather [hbm4b:s5+s4], $0x80, v4, vm1, $0xb8;
	[tilespmem:$0x12300] =	vst v63  }
0x1f1: {  	s0 =	simm.s32 $0x5200  }
0x1f2: {  	[tilespmem:s0], [sflag:$0x1] =	stream.indirect_vreg.gather [hbm4b:s1+s4], $0x80, v3, vm1, $0xb8;
	[tilespmem:$0x12300] =	vst v63  }
0x1f3: {  	s8 =	simm.s32 $0x5A00  }
0x1f4: {  	[tilespmem:s8], [sflag:$0x1] =	stream.indirect_vreg.gather [hbm4b:s5+s4], $0x80, v3, vm1, $0xb8;
	[tilespmem:$0x12300] =	vst v63  }
0x1f5: {  	v3 =	vld [tilespmem:$0x1B0];
	_ =	sdelay $0x4  }
0x1f6: {  	v59 =	vshll.u32 v3, $0x2  }
0x1f7: {  	v3 =	vand.u32 $0x7, v3;
	v4 =	vand.u32 $0xFFFFFFE0, v59  }
0x1f8: {  	v3 =	vor.u32 v3, v4  }
0x1f9: {  	v4 =	vperm.xlane v3, v0;
	_ =	sdelay $0x1  }
0x1fa: {  	v4 =	vadd.s32 v1, v4;
	_ =	sdelay $0x1  }
0x1fb: {  	v3 =	vperm.xlane v3, v2;
	_ =	sdelay $0x1  }
0x1fc: {  	s2 =	simm.s32 $0x6200;
	v3 =	vadd.s32 v1, v3  }
0x1fd: {  	[tilespmem:s2], [sflag:$0x1] =	stream.indirect_vreg.gather [hbm4b:s1+s4], $0x80, v4, vm1, $0xb8;
	[tilespmem:$0x12300] =	vst v63  }
0x1fe: {  	s3 =	simm.s32 $0x6A00  }
0x1ff: {  	[tilespmem:s3], [sflag:$0x1] =	stream.indirect_vreg.gather [hbm4b:s5+s4], $0x80, v4, vm1, $0xb8;
	[tilespmem:$0x12300] =	vst v63  }
0x200: {  	s30 =	simm.s32 $0x7200  }
0x201: {  	[tilespmem:s30], [sflag:$0x1] =	stream.indirect_vreg.gather [hbm4b:s1+s4], $0x80, v3, vm1, $0xb8;
	[tilespmem:$0x12300] =	vst v63  }
0x202: {  	s9 =	simm.s32 $0x7A00  }
0x203: {  	[tilespmem:s9], [sflag:$0x1] =	stream.indirect_vreg.gather [hbm4b:s5+s4], $0x80, v3, vm1, $0xb8;
	[tilespmem:$0x12300] =	vst v63  }
0x204: {  	_ =	swait.ge [sflag:s16], $0x8000  }
0x205: {  	[sflag:s16] =	ssyncset.done $0x0  }
0x206: {  	s9 =	rddreg [dreg:$0x11];
	[sflag:s16] =	ssyncadd.s32 $0xFFFF8000  }
0x207: {  	[hbm4b:s9+s4] =	stream.linear.scatter [tilespmem:s10], [sflag:$0x4], $0x8000, $0x38;
	[tilespmem:$0x12300] =	vst v63  }
0x208: {  	_ =	swait.ge [sflag:s17], $0x8000  }
0x209: {  	[sflag:s17] =	ssyncset.done $0x0  }
0x20a: {  	[sflag:s17] =	ssyncadd.s32 $0xFFFF8000  }
0x20b: {  	v3 =	vld [tilespmem:$0x1C0];
	_ =	sdelay $0x4  }
0x20c: {  	v60 =	vshll.u32 v3, $0x2  }
0x20d: {  	v3 =	vand.u32 $0x7, v3;
	v4 =	vand.u32 $0xFFFFFFE0, v60  }
0x20e: {  	v3 =	vor.u32 v3, v4  }
0x20f: {  	v4 =	vperm.xlane v3, v0;
	_ =	sdelay $0x1  }
0x210: {  	v4 =	vadd.s32 v1, v4;
	_ =	sdelay $0x1  }
0x211: {  	v3 =	vperm.xlane v3, v2;
	_ =	sdelay $0x1  }
0x212: {  	v3 =	vadd.s32 v1, v3  }
0x213: {  	[tilespmem:s10], [sflag:$0x2] =	stream.indirect_vreg.gather [hbm4b:s1+s4], $0x80, v4, vm1, $0xb8;
	[tilespmem:$0x12300] =	vst v63  }
0x214: {  	s7 =	simm.s32 $0x8A00  }
0x215: {  	[tilespmem:s7], [sflag:$0x2] =	stream.indirect_vreg.gather [hbm4b:s5+s4], $0x80, v4, vm1, $0xb8;
	[tilespmem:$0x12300] =	vst v63  }
0x216: {  	s23 =	simm.s32 $0x9200  }
0x217: {  	[tilespmem:s23], [sflag:$0x2] =	stream.indirect_vreg.gather [hbm4b:s1+s4], $0x80, v3, vm1, $0xb8;
	[tilespmem:$0x12300] =	vst v63  }
0x218: {  	s23 =	simm.s32 $0x9A00  }
0x219: {  	[tilespmem:s23], [sflag:$0x2] =	stream.indirect_vreg.gather [hbm4b:s5+s4], $0x80, v3, vm1, $0xb8;
	[tilespmem:$0x12300] =	vst v63  }
0x21a: {  	v3 =	vld [tilespmem:$0x1D0];
	_ =	sdelay $0x4  }
0x21b: {  	v61 =	vshll.u32 v3, $0x2  }
0x21c: {  	v3 =	vand.u32 $0x7, v3;
	v4 =	vand.u32 $0xFFFFFFE0, v61  }
0x21d: {  	v3 =	vor.u32 v3, v4  }
0x21e: {  	v4 =	vperm.xlane v3, v0;
	_ =	sdelay $0x1  }
0x21f: {  	v4 =	vadd.s32 v1, v4;
	_ =	sdelay $0x1  }
0x220: {  	v3 =	vperm.xlane v3, v2;
	_ =	sdelay $0x1  }
0x221: {  	s24 =	simm.s32 $0xA200;
	v3 =	vadd.s32 v1, v3  }
0x222: {  	[tilespmem:s24], [sflag:$0x2] =	stream.indirect_vreg.gather [hbm4b:s1+s4], $0x80, v4, vm1, $0xb8;
	[tilespmem:$0x12300] =	vst v63  }
0x223: {  	s12 =	simm.s32 $0xAA00  }
0x224: {  	[tilespmem:s12], [sflag:$0x2] =	stream.indirect_vreg.gather [hbm4b:s5+s4], $0x80, v4, vm1, $0xb8;
	[tilespmem:$0x12300] =	vst v63  }
0x225: {  	s13 =	simm.s32 $0xB200  }
0x226: {  	[tilespmem:s13], [sflag:$0x2] =	stream.indirect_vreg.gather [hbm4b:s1+s4], $0x80, v3, vm1, $0xb8;
	[tilespmem:$0x12300] =	vst v63  }
0x227: {  	s24 =	simm.s32 $0xBA00  }
0x228: {  	[tilespmem:s24], [sflag:$0x2] =	stream.indirect_vreg.gather [hbm4b:s5+s4], $0x80, v3, vm1, $0xb8;
	[tilespmem:$0x12300] =	vst v63  }
0x229: {  	v3 =	vld [tilespmem:$0x1E0];
	_ =	sdelay $0x4  }
0x22a: {  	v62 =	vshll.u32 v3, $0x2  }
0x22b: {  	v3 =	vand.u32 $0x7, v3;
	v4 =	vand.u32 $0xFFFFFFE0, v62  }
0x22c: {  	v3 =	vor.u32 v3, v4  }
0x22d: {  	v4 =	vperm.xlane v3, v0;
	_ =	sdelay $0x1  }
0x22e: {  	v4 =	vadd.s32 v1, v4;
	_ =	sdelay $0x1  }
0x22f: {  	v3 =	vperm.xlane v3, v2;
	_ =	sdelay $0x1  }
0x230: {  	s21 =	simm.s32 $0xC200;
	v3 =	vadd.s32 v1, v3  }
0x231: {  	[tilespmem:s21], [sflag:$0x2] =	stream.indirect_vreg.gather [hbm4b:s1+s4], $0x80, v4, vm1, $0xb8;
	[tilespmem:$0x12300] =	vst v63  }
0x232: {  	s22 =	simm.s32 $0xCA00  }
0x233: {  	[tilespmem:s22], [sflag:$0x2] =	stream.indirect_vreg.gather [hbm4b:s5+s4], $0x80, v4, vm1, $0xb8;
	[tilespmem:$0x12300] =	vst v63  }
0x234: {  	s25 =	simm.s32 $0xD200  }
0x235: {  	[tilespmem:s25], [sflag:$0x2] =	stream.indirect_vreg.gather [hbm4b:s1+s4], $0x80, v3, vm1, $0xb8;
	[tilespmem:$0x12300] =	vst v63  }
0x236: {  	s25 =	simm.s32 $0xDA00  }
0x237: {  	[tilespmem:s25], [sflag:$0x2] =	stream.indirect_vreg.gather [hbm4b:s5+s4], $0x80, v3, vm1, $0xb8;
	[tilespmem:$0x12300] =	vst v63  }
0x238: {  	v3 =	vld [tilespmem:$0x1F0];
	_ =	sdelay $0x4  }
0x239: {  	v63 =	vshll.u32 v3, $0x2  }
0x23a: {  	v3 =	vand.u32 $0x7, v3;
	v4 =	vand.u32 $0xFFFFFFE0, v63  }
0x23b: {  	v3 =	vor.u32 v3, v4  }
0x23c: {  	v4 =	vperm.xlane v3, v0;
	_ =	sdelay $0x1  }
0x23d: {  	v4 =	vadd.s32 v1, v4;
	_ =	sdelay $0x1  }
0x23e: {  	v3 =	vperm.xlane v3, v2;
	_ =	sdelay $0x1  }
0x23f: {  	s26 =	simm.s32 $0xE200;
	v3 =	vadd.s32 v1, v3  }
0x240: {  	[tilespmem:s26], [sflag:$0x2] =	stream.indirect_vreg.gather [hbm4b:s1+s4], $0x80, v4, vm1, $0xb8;
	[tilespmem:$0x12300] =	vst v63  }
0x241: {  	s26 =	simm.s32 $0xEA00  }
0x242: {  	[tilespmem:s26], [sflag:$0x2] =	stream.indirect_vreg.gather [hbm4b:s5+s4], $0x80, v4, vm1, $0xb8;
	[tilespmem:$0x12300] =	vst v63  }
0x243: {  	s28 =	simm.s32 $0xF200  }
0x244: {  	[tilespmem:s28], [sflag:$0x2] =	stream.indirect_vreg.gather [hbm4b:s1+s4], $0x80, v3, vm1, $0xb8;
	[tilespmem:$0x12300] =	vst v63  }
0x245: {  	s29 =	simm.s32 $0xFA00  }
0x246: {  	[tilespmem:s29], [sflag:$0x2] =	stream.indirect_vreg.gather [hbm4b:s5+s4], $0x80, v3, vm1, $0xb8;
	[tilespmem:$0x12300] =	vst v63  }
0x247: {  	_ =	swait.ge [sflag:s14], $0x8000  }
0x248: {  	[sflag:s14] =	ssyncset.done $0x0  }
0x249: {  	s30 =	rddreg [dreg:$0x12];
	[sflag:s14] =	ssyncadd.s32 $0xFFFF8000  }
0x24a: {  	[hbm4b:s30+s4] =	stream.linear.scatter [tilespmem:s11], [sflag:$0x3], $0x8000, $0x38;
	[tilespmem:$0x12300] =	vst v63  }
0x24b: {  	_ =	swait.ge [sflag:s16], $0x8000  }
0x24c: {  	[sflag:s16] =	ssyncset.done $0x0  }
0x24d: {  	s31 =	rddreg [dreg:$0x13];
	[sflag:s16] =	ssyncadd.s32 $0xFFFF8000  }
0x24e: {  	[hbm4b:s31+s4] =	stream.linear.scatter [tilespmem:s10], [sflag:$0x4], $0x8000, $0x38;
	[tilespmem:$0x12300] =	vst v63  }
0x24f: {  	_ =	swait.ge [sflag:s15], $0x8000  }
0x250: {  	[sflag:s15] =	ssyncset.done $0x0  }
0x251: {  	[sflag:s15] =	ssyncadd.s32 $0xFFFF8000  }
0x252: {  	_ =	swait.ge [sflag:s17], $0x8000  }
0x253: {  	[sflag:s17] =	ssyncset.done $0x0  }
0x254: {  	s20 =	simm.s32 @!p0 $0x5;
	[sflag:s17] =	ssyncadd.s32 $0xFFFF8000  }
0x255: {  	_ =	swait.ge @!p0 [sflag:s20], $0x1000  }
0x256: {  	[sflag:s20] =	ssyncset.done @!p0 $0x0  }
0x257: {  	s0 =	simm.s32 @!p0 $0x10300;
	s21 =	rddreg [dreg:$0x14];
	[sflag:s20] =	ssyncadd.s32 @!p0 $0xFFFFF000  }
0x258: {  	[hbm4b:s21+s19] =	stream.linear.scatter @!p0 [tilespmem:s0], [sflag:$0x7], $0x1000, $0x38;
	[tilespmem:$0x12300] =	vst v63  }
0x259: {  	_ =	swait.ge @!p0 [sflag:s18], $0x1000  }
0x25a: {  	[sflag:s18] =	ssyncset.done @!p0 $0x0  }
0x25b: {  	s20 =	simm.s32 @!p0 $0x6;
	[sflag:s18] =	ssyncadd.s32 @!p0 $0xFFFFF000  }
0x25c: {  	s6 =	sadd.s32 $0xFFFFFFFF, s6;
	_ =	swait.ge @!p0 [sflag:s20], $0x1000  }
0x25d: {  	p1 =	sne.s32 s6, $0x0;
	s0 =	simm.s32 @!p0 $0x11300;
	[sflag:s20] =	ssyncset.done @!p0 $0x0  }
.Ltmp0:
0x25e: {  	s21 =	rddreg [dreg:$0x15];
	[sflag:s20] =	ssyncadd.s32 @!p0 $0xFFFFF000;
	(pc) =	sbr.rel @p1 .LBB2_1-.Ltmp0, $4  }
0x25f: {  	[hbm4b:s21+s19] =	stream.linear.scatter @!p0 [tilespmem:s0], [sflag:$0x7], $0x1000, $0x38;
	[tilespmem:$0x12300] =	vst v63  }
0x260: {  	_ =	swait.ge @!p0 [sflag:s18], $0x1000  }
0x261: {  	[sflag:s18] =	ssyncset.done @!p0 $0x0  }
0x262: {  	[sflag:s18] =	ssyncadd.s32 @!p0 $0xFFFFF000  }
0x263: {  	_ =	sfence.sel $0x180000  }
0x264: {  	[bflag:$0x0] =	sbarrier.arrive $0xFFFF  }
0x265: {  	_ =	strace $0x90000047  }
0x266: {  	s0 =	stileid.u32;
	[bflag:$0x2] =	sbarrier.arrive $0xFFFF  }
0x267: {  	p0 =	sne.s32 s0, $0x0;
	s0 =	rddreg [dreg:$0x7]  }
0x268: {  	s0 =	sadd.s32 @!p0 $0x100000, s0  }
0x269: {  	[sflag:s0] =	ssyncadd.tile.s32 @!p0 $0x1;
	_ =	shalt  }
.Lfunc_end2:
_tile_overlayer_lowered:
.L_overlay_start_2:
0x26a: {  	(tag) =	ssettag $0x2  }
0x26b: {  	s0 =	rddreg [dreg:$0x0];
	s2 =	stileid.u32  }
0x26c: {  	s1 =	rddreg [dreg:$0x1];
	p0 =	sne.s32 s2, $0x0  }
0x26d: {  	s3 =	rddreg [dreg:$0x2];
	[bflag:$0x3] =	sbarrier.arrive $0xFFFF;
	s2 =	simm.s32 @!p0 $0x1C07  }
0x26e: {  	[timem:s3], [sflag:s2] =	dma.local @!p0 [hbm:s0], s1  }
0x26f: {  	s0 =	simm.s32 @!p0 $0x7  }
0x270: {  	_ =	swait.ge @!p0 [sflag:s0], s1  }
0x271: {  	s1 =	ssub.s32 @!p0 $0x0, s1;
	[sflag:s0] =	ssyncset.done @!p0 $0x0  }
0x272: {  	[sflag:s0] =	ssyncadd.s32 @!p0 s1  }
0x273: {  	[bflag:$0x3] =	sbarrier.arrive $0xFFFF  }
0x274: {  	_ =	shalt  }

</sc_bundles>
